<compile_context>
chip_gen: v7x
topology: tpu7x:2x2x1
jax: 0.10.2.dev20260603
libtpu: 0.0.44.dev20260713+nightly
codegen_flags: <defaults>
</compile_context>

<pallas_src>
import jax
import jax.numpy as jnp
from jax import lax
from jax.experimental import pallas as pl
from jax.experimental.pallas import tpu as pltpu
from jax.experimental.pallas import tpu_sc as plsc

RANK = 128
HALF = RANK // 2
MARGIN = 1.0
NC = 2
NS = 16
NW = NC * NS
L = 16


def _sc_transe(b_per_w):

    def body(idxh_hbm, idxr_hbm, idxt_hbm, idxs_hbm, e0, e1, e2,
             pred_out, head_out, rel_out, tail_out, ts_out,
             ih_v, ir_v, it_v, is_v,
             head_v, rel_v, tail_v, ts_v, sos_v, pred_v,
             gsem, wsem):
        wid = lax.axis_index("s") * NC + lax.axis_index("c")
        base = wid * b_per_w
        lanes = lax.iota(jnp.int32, L)

        pltpu.sync_copy(idxh_hbm.at[pl.ds(base, b_per_w)], ih_v)
        pltpu.sync_copy(idxr_hbm.at[pl.ds(base, b_per_w)], ir_v)
        pltpu.sync_copy(idxt_hbm.at[pl.ds(base, b_per_w)], it_v)
        pltpu.sync_copy(idxs_hbm.at[pl.ds(base, b_per_w)], is_v)

        g1 = pltpu.async_copy(e0.at[ih_v], head_v, gsem)
        g2 = pltpu.async_copy(e1.at[ir_v], rel_v, gsem)
        g3 = pltpu.async_copy(e0.at[it_v], tail_v, gsem)
        g4 = pltpu.async_copy(e2.at[is_v], ts_v, gsem)
        g1.wait()
        g2.wait()
        g3.wait()
        g4.wait()

        w1 = pltpu.async_copy(head_v, head_out.at[pl.ds(base, b_per_w)], wsem)
        w2 = pltpu.async_copy(rel_v, rel_out.at[pl.ds(base, b_per_w)], wsem)
        w3 = pltpu.async_copy(tail_v, tail_out.at[pl.ds(base, b_per_w)], wsem)
        w4 = pltpu.async_copy(ts_v, ts_out.at[pl.ds(base, b_per_w)], wsem)

        def row_body(r, carry):
            rl = jnp.broadcast_to(r, (L,))
            acc = jnp.zeros((L,), jnp.float32)
            for k in range(RANK // L):
                h = head_v[r, pl.ds(k * L, L)]
                t = tail_v[r, pl.ds(k * L, L)]
                if k < HALF // L:
                    rt = rel_v[r, pl.ds(k * L, L)]
                else:
                    rt = ts_v[r, pl.ds(k * L - HALF, L)]
                d = h + rt - t
                acc = acc + d * d
            plsc.store_scatter(sos_v, [lanes, rl], acc)
            return carry

        lax.fori_loop(0, b_per_w, row_body, 0)

        for g in range(b_per_w // L):
            s = sos_v[0, pl.ds(g * L, L)]
            for l in range(1, L):
                s = s + sos_v[l, pl.ds(g * L, L)]
            sc = jnp.maximum(s, 1e-30)
            i = lax.bitcast_convert_type(sc, jnp.int32)
            i = jnp.int32(0x5F3759DF) - lax.shift_right_arithmetic(i, 1)
            y = lax.bitcast_convert_type(i, jnp.float32)
            for _ in range(4):
                y = y * (1.5 - 0.5 * sc * y * y)
            pred_v[pl.ds(g * L, L)] = MARGIN - s * y

        pltpu.sync_copy(pred_v, pred_out.at[pl.ds(base, b_per_w)])
        w1.wait()
        w2.wait()
        w3.wait()
        w4.wait()

    return body


def kernel(x_data, E0, E1, E2, bh, bt):
    del bh, bt
    B = x_data.shape[0]
    b_per_w = B // NW
    idx_h = x_data[:, 0]
    idx_r = x_data[:, 1]
    idx_t = x_data[:, 2]
    idx_s = x_data[:, 3]

    mesh = plsc.VectorSubcoreMesh(core_axis_name="c", subcore_axis_name="s")
    out_type = (
        jax.ShapeDtypeStruct((B,), jnp.float32),
        jax.ShapeDtypeStruct((B, RANK), jnp.float32),
        jax.ShapeDtypeStruct((B, HALF), jnp.float32),
        jax.ShapeDtypeStruct((B, RANK), jnp.float32),
        jax.ShapeDtypeStruct((B, HALF), jnp.float32),
    )
    scratch = [
        pltpu.VMEM((b_per_w,), jnp.int32),
        pltpu.VMEM((b_per_w,), jnp.int32),
        pltpu.VMEM((b_per_w,), jnp.int32),
        pltpu.VMEM((b_per_w,), jnp.int32),
        pltpu.VMEM((b_per_w, RANK), jnp.float32),
        pltpu.VMEM((b_per_w, HALF), jnp.float32),
        pltpu.VMEM((b_per_w, RANK), jnp.float32),
        pltpu.VMEM((b_per_w, HALF), jnp.float32),
        pltpu.VMEM((L, b_per_w + 1), jnp.float32),
        pltpu.VMEM((b_per_w,), jnp.float32),
        pltpu.SemaphoreType.DMA,
        pltpu.SemaphoreType.DMA,
    ]
    fn = pl.kernel(_sc_transe(b_per_w), out_type=out_type, mesh=mesh,
                   scratch_types=scratch,
                   compiler_params=pltpu.CompilerParams(
                       needs_layout_passes=False,
                       use_tc_tiling_on_sc=False))
    preds, head_e, rel_e, tail_e, ts_e = fn(
        idx_h, idx_r, idx_t, idx_s, E0, E1, E2)
    return (preds, (head_e, rel_e, tail_e, ts_e))

# --- scband reference (transcript-rebuilt; emitter-appended) ---
"""Pipeline reference for scband-naive-trans-e-50208167690648 (READ-ONLY COPY).

The authoritative reference and input builder live on the scoring server;
editing this copy changes nothing except your own understanding.
"""

import jax, jax.numpy as jnp
import numpy as np

SIZES = 100000
RANK = 128
MARGIN = 1.0
INIT_SIZE = 0.001
B = 4096


def setup_inputs(seed: int = 0) -> dict:
    key = jax.random.key(seed)
    k1, k2, k3, k4 = jax.random.split(key, 4)
    x_data = jax.random.randint(k1, (B, 4), 0, SIZES, dtype=jnp.int32)
    E0 = INIT_SIZE * jax.random.normal(k2, (SIZES, RANK), dtype=jnp.float32)
    E1 = INIT_SIZE * jax.random.normal(k3, (SIZES, RANK // 2), dtype=jnp.float32)
    E2 = INIT_SIZE * jax.random.normal(k4, (SIZES, RANK // 2), dtype=jnp.float32)
    bh = jnp.zeros((SIZES, 1), dtype=jnp.float32)
    bt = jnp.zeros((SIZES, 1), dtype=jnp.float32)
    return {"x_data": x_data, "E0": E0, "E1": E1, "E2": E2, "bh": bh, "bt": bt}


def reference(x_data, E0, E1, E2, bh, bt):
    # get_queries (eval_mode=False)
    head_e = jnp.take(E0, x_data[:, 0], axis=0)
    rel_e = jnp.take(E1, x_data[:, 1], axis=0)
    ts_e = jnp.take(E2, x_data[:, 3], axis=0)
    lhs_biases = jnp.take(bh, x_data[:, 0], axis=0)
    tail_e = jnp.take(E0, x_data[:, 2], axis=0)
    rhs_biases = jnp.take(bt, x_data[:, 2], axis=0)
    lhs = head_e + jnp.concatenate((rel_e, ts_e), axis=-1)
    rhs = tail_e
    # score with bias == 'constant'
    score = -jnp.linalg.norm(lhs - rhs, axis=1)
    predictions = MARGIN + score
    factors = (head_e, rel_e, tail_e, ts_e)
    return (predictions, factors)

if __name__ == "__main__":
    import jax
    _d = setup_inputs()
    print(jax.jit(kernel)(*tuple(_d.values())))

</pallas_src>

<mosaic_0001>
#map = affine_map<(d0, d1) -> (0)>
#map1 = affine_map<(d0, d1) -> (0, 0)>
module attributes {stable_mosaic.version = 14 : i64} {
  func.func @body(%arg0: i32, %arg1: i32, %arg2: memref<4096xi32, #tpu.memory_space<hbm>>, %arg3: memref<4096xi32, #tpu.memory_space<hbm>>, %arg4: memref<4096xi32, #tpu.memory_space<hbm>>, %arg5: memref<4096xi32, #tpu.memory_space<hbm>>, %arg6: memref<100000x128xf32, #tpu.memory_space<hbm>>, %arg7: memref<100000x64xf32, #tpu.memory_space<hbm>>, %arg8: memref<100000x64xf32, #tpu.memory_space<hbm>>, %arg9: memref<4096xf32, #tpu.memory_space<hbm>>, %arg10: memref<4096x128xf32, #tpu.memory_space<hbm>>, %arg11: memref<4096x64xf32, #tpu.memory_space<hbm>>, %arg12: memref<4096x128xf32, #tpu.memory_space<hbm>>, %arg13: memref<4096x64xf32, #tpu.memory_space<hbm>>, %arg14: memref<128xi32, #tpu.memory_space<vmem>>, %arg15: memref<128xi32, #tpu.memory_space<vmem>>, %arg16: memref<128xi32, #tpu.memory_space<vmem>>, %arg17: memref<128xi32, #tpu.memory_space<vmem>>, %arg18: memref<128x128xf32, #tpu.memory_space<vmem>>, %arg19: memref<128x64xf32, #tpu.memory_space<vmem>>, %arg20: memref<128x128xf32, #tpu.memory_space<vmem>>, %arg21: memref<128x64xf32, #tpu.memory_space<vmem>>, %arg22: memref<16x129xf32, #tpu.memory_space<vmem>>, %arg23: memref<128xf32, #tpu.memory_space<vmem>>, %arg24: memref<!tpu.dma_semaphore, #tpu.memory_space<semaphore_mem>>, %arg25: memref<!tpu.dma_semaphore, #tpu.memory_space<semaphore_mem>>) attributes {dimension_semantics = [#tpu.dimension_semantics<core_parallel>, #tpu.dimension_semantics<subcore_parallel>], iteration_bounds = array<i64: 2, 16>, scalar_prefetch = 0 : i64, scratch_operands = 12 : i64, tpu.core_type = #tpu.core_type<sc_vector_subcore>, window_params = [{transform_indices = #map}, {transform_indices = #map}, {transform_indices = #map}, {transform_indices = #map}, {transform_indices = #map1}, {transform_indices = #map1}, {transform_indices = #map1}, {transform_indices = #map}, {transform_indices = #map1}, {transform_indices = #map1}, {transform_indices = #map1}, {transform_indices = #map1}]} {
    %mul3A = arith.constant 2 : i32
    %mul3A_0 = arith.muli %arg1, %mul3A : i32
    %add3A = arith.addi %mul3A_0, %arg0 : i32
    %mul3A_1 = arith.constant 128 : i32
    %mul3A_2 = arith.muli %add3A, %mul3A_1 : i32
    %iota3A = tpu.iota {dimensions = array<i32: 0>} : vector<16xi32>
    "tpu.region"() ({
      %run_scoped3A = tpu.sem_alloc : memref<!tpu.dma_semaphore, #tpu.memory_space<semaphore_mem>>
      %dma_start3A_1112 = tpu.memref_slice %arg2[%mul3A_2] : memref<4096xi32, #tpu.memory_space<hbm>> -> memref<128xi32, #tpu.memory_space<hbm>>
      %dma_start3A_1113 = tpu.memref_slice %arg2[%mul3A_2] : memref<4096xi32, #tpu.memory_space<hbm>> -> memref<128xi32, #tpu.memory_space<hbm>>
      tpu.enqueue_dma source(%dma_start3A_1113 : memref<128xi32, #tpu.memory_space<hbm>>) target(%arg14 : memref<128xi32, #tpu.memory_space<vmem>>) target_semaphore(%run_scoped3A : memref<!tpu.dma_semaphore, #tpu.memory_space<semaphore_mem>>)
      %dma_wait3A_1114 = tpu.memref_slice %arg2[%mul3A_2] : memref<4096xi32, #tpu.memory_space<hbm>> -> memref<128xi32, #tpu.memory_space<hbm>>
      %dma_wait3A_1115 = tpu.memref_slice %arg2[%mul3A_2] : memref<4096xi32, #tpu.memory_space<hbm>> -> memref<128xi32, #tpu.memory_space<hbm>>
      tpu.wait_dma2 semaphore(%run_scoped3A : memref<!tpu.dma_semaphore, #tpu.memory_space<semaphore_mem>>) src(%dma_wait3A_1115 : memref<128xi32, #tpu.memory_space<hbm>>) dst(%arg14 : memref<128xi32, #tpu.memory_space<vmem>>)
      tpu.yield
    }) : () -> ()
    "tpu.region"() ({
      %run_scoped3A = tpu.sem_alloc : memref<!tpu.dma_semaphore, #tpu.memory_space<semaphore_mem>>
      %dma_start3A_1112 = tpu.memref_slice %arg3[%mul3A_2] : memref<4096xi32, #tpu.memory_space<hbm>> -> memref<128xi32, #tpu.memory_space<hbm>>
      %dma_start3A_1113 = tpu.memref_slice %arg3[%mul3A_2] : memref<4096xi32, #tpu.memory_space<hbm>> -> memref<128xi32, #tpu.memory_space<hbm>>
      tpu.enqueue_dma source(%dma_start3A_1113 : memref<128xi32, #tpu.memory_space<hbm>>) target(%arg15 : memref<128xi32, #tpu.memory_space<vmem>>) target_semaphore(%run_scoped3A : memref<!tpu.dma_semaphore, #tpu.memory_space<semaphore_mem>>)
      %dma_wait3A_1114 = tpu.memref_slice %arg3[%mul3A_2] : memref<4096xi32, #tpu.memory_space<hbm>> -> memref<128xi32, #tpu.memory_space<hbm>>
      %dma_wait3A_1115 = tpu.memref_slice %arg3[%mul3A_2] : memref<4096xi32, #tpu.memory_space<hbm>> -> memref<128xi32, #tpu.memory_space<hbm>>
      tpu.wait_dma2 semaphore(%run_scoped3A : memref<!tpu.dma_semaphore, #tpu.memory_space<semaphore_mem>>) src(%dma_wait3A_1115 : memref<128xi32, #tpu.memory_space<hbm>>) dst(%arg15 : memref<128xi32, #tpu.memory_space<vmem>>)
      tpu.yield
    }) : () -> ()
    "tpu.region"() ({
      %run_scoped3A = tpu.sem_alloc : memref<!tpu.dma_semaphore, #tpu.memory_space<semaphore_mem>>
      %dma_start3A_1112 = tpu.memref_slice %arg4[%mul3A_2] : memref<4096xi32, #tpu.memory_space<hbm>> -> memref<128xi32, #tpu.memory_space<hbm>>
      %dma_start3A_1113 = tpu.memref_slice %arg4[%mul3A_2] : memref<4096xi32, #tpu.memory_space<hbm>> -> memref<128xi32, #tpu.memory_space<hbm>>
      tpu.enqueue_dma source(%dma_start3A_1113 : memref<128xi32, #tpu.memory_space<hbm>>) target(%arg16 : memref<128xi32, #tpu.memory_space<vmem>>) target_semaphore(%run_scoped3A : memref<!tpu.dma_semaphore, #tpu.memory_space<semaphore_mem>>)
      %dma_wait3A_1114 = tpu.memref_slice %arg4[%mul3A_2] : memref<4096xi32, #tpu.memory_space<hbm>> -> memref<128xi32, #tpu.memory_space<hbm>>
      %dma_wait3A_1115 = tpu.memref_slice %arg4[%mul3A_2] : memref<4096xi32, #tpu.memory_space<hbm>> -> memref<128xi32, #tpu.memory_space<hbm>>
      tpu.wait_dma2 semaphore(%run_scoped3A : memref<!tpu.dma_semaphore, #tpu.memory_space<semaphore_mem>>) src(%dma_wait3A_1115 : memref<128xi32, #tpu.memory_space<hbm>>) dst(%arg16 : memref<128xi32, #tpu.memory_space<vmem>>)
      tpu.yield
    }) : () -> ()
    "tpu.region"() ({
      %run_scoped3A = tpu.sem_alloc : memref<!tpu.dma_semaphore, #tpu.memory_space<semaphore_mem>>
      %dma_start3A_1112 = tpu.memref_slice %arg5[%mul3A_2] : memref<4096xi32, #tpu.memory_space<hbm>> -> memref<128xi32, #tpu.memory_space<hbm>>
      %dma_start3A_1113 = tpu.memref_slice %arg5[%mul3A_2] : memref<4096xi32, #tpu.memory_space<hbm>> -> memref<128xi32, #tpu.memory_space<hbm>>
      tpu.enqueue_dma source(%dma_start3A_1113 : memref<128xi32, #tpu.memory_space<hbm>>) target(%arg17 : memref<128xi32, #tpu.memory_space<vmem>>) target_semaphore(%run_scoped3A : memref<!tpu.dma_semaphore, #tpu.memory_space<semaphore_mem>>)
      %dma_wait3A_1114 = tpu.memref_slice %arg5[%mul3A_2] : memref<4096xi32, #tpu.memory_space<hbm>> -> memref<128xi32, #tpu.memory_space<hbm>>
      %dma_wait3A_1115 = tpu.memref_slice %arg5[%mul3A_2] : memref<4096xi32, #tpu.memory_space<hbm>> -> memref<128xi32, #tpu.memory_space<hbm>>
      tpu.wait_dma2 semaphore(%run_scoped3A : memref<!tpu.dma_semaphore, #tpu.memory_space<semaphore_mem>>) src(%dma_wait3A_1115 : memref<128xi32, #tpu.memory_space<hbm>>) dst(%arg17 : memref<128xi32, #tpu.memory_space<vmem>>)
      tpu.yield
    }) : () -> ()
    %dma_start3A = arith.constant 0 : i32
    %dma_start3A_3 = arith.constant 0 : i32
    %dma_start3A_4 = tpu.memref_slice %arg6[%dma_start3A, %dma_start3A_3] : memref<100000x128xf32, #tpu.memory_space<hbm>> -> memref<100000x128xf32, #tpu.memory_space<hbm>>
    tpu.enqueue_indirect_dma source(%dma_start3A_4 : memref<100000x128xf32, #tpu.memory_space<hbm>>) target(%arg18 : memref<128x128xf32, #tpu.memory_space<vmem>>) offsets(%arg14 : memref<128xi32, #tpu.memory_space<vmem>>) semaphore(%arg24 : memref<!tpu.dma_semaphore, #tpu.memory_space<semaphore_mem>>)
    %dma_start3A_5 = arith.constant 0 : i32
    %dma_start3A_6 = arith.constant 0 : i32
    %dma_start3A_7 = tpu.memref_slice %arg7[%dma_start3A_5, %dma_start3A_6] : memref<100000x64xf32, #tpu.memory_space<hbm>> -> memref<100000x64xf32, #tpu.memory_space<hbm>>
    tpu.enqueue_indirect_dma source(%dma_start3A_7 : memref<100000x64xf32, #tpu.memory_space<hbm>>) target(%arg19 : memref<128x64xf32, #tpu.memory_space<vmem>>) offsets(%arg15 : memref<128xi32, #tpu.memory_space<vmem>>) semaphore(%arg24 : memref<!tpu.dma_semaphore, #tpu.memory_space<semaphore_mem>>)
    %dma_start3A_8 = arith.constant 0 : i32
    %dma_start3A_9 = arith.constant 0 : i32
    %dma_start3A_10 = tpu.memref_slice %arg6[%dma_start3A_8, %dma_start3A_9] : memref<100000x128xf32, #tpu.memory_space<hbm>> -> memref<100000x128xf32, #tpu.memory_space<hbm>>
    tpu.enqueue_indirect_dma source(%dma_start3A_10 : memref<100000x128xf32, #tpu.memory_space<hbm>>) target(%arg20 : memref<128x128xf32, #tpu.memory_space<vmem>>) offsets(%arg16 : memref<128xi32, #tpu.memory_space<vmem>>) semaphore(%arg24 : memref<!tpu.dma_semaphore, #tpu.memory_space<semaphore_mem>>)
    %dma_start3A_11 = arith.constant 0 : i32
    %dma_start3A_12 = arith.constant 0 : i32
    %dma_start3A_13 = tpu.memref_slice %arg8[%dma_start3A_11, %dma_start3A_12] : memref<100000x64xf32, #tpu.memory_space<hbm>> -> memref<100000x64xf32, #tpu.memory_space<hbm>>
    tpu.enqueue_indirect_dma source(%dma_start3A_13 : memref<100000x64xf32, #tpu.memory_space<hbm>>) target(%arg21 : memref<128x64xf32, #tpu.memory_space<vmem>>) offsets(%arg17 : memref<128xi32, #tpu.memory_space<vmem>>) semaphore(%arg24 : memref<!tpu.dma_semaphore, #tpu.memory_space<semaphore_mem>>)
    %dma_wait3A = arith.constant 0 : i32
    %dma_wait3A_14 = arith.constant 0 : i32
    %dma_wait3A_15 = tpu.memref_slice %arg6[%dma_wait3A, %dma_wait3A_14] : memref<100000x128xf32, #tpu.memory_space<hbm>> -> memref<100000x128xf32, #tpu.memory_space<hbm>>
    tpu.wait_indirect_dma semaphore(%arg24 : memref<!tpu.dma_semaphore, #tpu.memory_space<semaphore_mem>>) src(%dma_wait3A_15 : memref<100000x128xf32, #tpu.memory_space<hbm>>) dst(%arg18 : memref<128x128xf32, #tpu.memory_space<vmem>>)
    %dma_wait3A_16 = arith.constant 0 : i32
    %dma_wait3A_17 = arith.constant 0 : i32
    %dma_wait3A_18 = tpu.memref_slice %arg7[%dma_wait3A_16, %dma_wait3A_17] : memref<100000x64xf32, #tpu.memory_space<hbm>> -> memref<100000x64xf32, #tpu.memory_space<hbm>>
    tpu.wait_indirect_dma semaphore(%arg24 : memref<!tpu.dma_semaphore, #tpu.memory_space<semaphore_mem>>) src(%dma_wait3A_18 : memref<100000x64xf32, #tpu.memory_space<hbm>>) dst(%arg19 : memref<128x64xf32, #tpu.memory_space<vmem>>)
    %dma_wait3A_19 = arith.constant 0 : i32
    %dma_wait3A_20 = arith.constant 0 : i32
    %dma_wait3A_21 = tpu.memref_slice %arg6[%dma_wait3A_19, %dma_wait3A_20] : memref<100000x128xf32, #tpu.memory_space<hbm>> -> memref<100000x128xf32, #tpu.memory_space<hbm>>
    tpu.wait_indirect_dma semaphore(%arg24 : memref<!tpu.dma_semaphore, #tpu.memory_space<semaphore_mem>>) src(%dma_wait3A_21 : memref<100000x128xf32, #tpu.memory_space<hbm>>) dst(%arg20 : memref<128x128xf32, #tpu.memory_space<vmem>>)
    %dma_wait3A_22 = arith.constant 0 : i32
    %dma_wait3A_23 = arith.constant 0 : i32
    %dma_wait3A_24 = tpu.memref_slice %arg8[%dma_wait3A_22, %dma_wait3A_23] : memref<100000x64xf32, #tpu.memory_space<hbm>> -> memref<100000x64xf32, #tpu.memory_space<hbm>>
    tpu.wait_indirect_dma semaphore(%arg24 : memref<!tpu.dma_semaphore, #tpu.memory_space<semaphore_mem>>) src(%dma_wait3A_24 : memref<100000x64xf32, #tpu.memory_space<hbm>>) dst(%arg21 : memref<128x64xf32, #tpu.memory_space<vmem>>)
    %dma_start3A_25 = arith.constant 0 : i32
    %dma_start3A_26 = tpu.memref_slice %arg10[%mul3A_2, %dma_start3A_25] : memref<4096x128xf32, #tpu.memory_space<hbm>> -> memref<128x128xf32, #tpu.memory_space<hbm>>
    %dma_start3A_27 = arith.constant 0 : i32
    %dma_start3A_28 = tpu.memref_slice %arg10[%mul3A_2, %dma_start3A_27] : memref<4096x128xf32, #tpu.memory_space<hbm>> -> memref<128x128xf32, #tpu.memory_space<hbm>>
    tpu.enqueue_dma source(%arg18 : memref<128x128xf32, #tpu.memory_space<vmem>>) target(%dma_start3A_28 : memref<128x128xf32, #tpu.memory_space<hbm>>) target_semaphore(%arg25 : memref<!tpu.dma_semaphore, #tpu.memory_space<semaphore_mem>>)
    %dma_start3A_29 = arith.constant 0 : i32
    %dma_start3A_30 = tpu.memref_slice %arg11[%mul3A_2, %dma_start3A_29] : memref<4096x64xf32, #tpu.memory_space<hbm>> -> memref<128x64xf32, #tpu.memory_space<hbm>>
    %dma_start3A_31 = arith.constant 0 : i32
    %dma_start3A_32 = tpu.memref_slice %arg11[%mul3A_2, %dma_start3A_31] : memref<4096x64xf32, #tpu.memory_space<hbm>> -> memref<128x64xf32, #tpu.memory_space<hbm>>
    tpu.enqueue_dma source(%arg19 : memref<128x64xf32, #tpu.memory_space<vmem>>) target(%dma_start3A_32 : memref<128x64xf32, #tpu.memory_space<hbm>>) target_semaphore(%arg25 : memref<!tpu.dma_semaphore, #tpu.memory_space<semaphore_mem>>)
    %dma_start3A_33 = arith.constant 0 : i32
    %dma_start3A_34 = tpu.memref_slice %arg12[%mul3A_2, %dma_start3A_33] : memref<4096x128xf32, #tpu.memory_space<hbm>> -> memref<128x128xf32, #tpu.memory_space<hbm>>
    %dma_start3A_35 = arith.constant 0 : i32
    %dma_start3A_36 = tpu.memref_slice %arg12[%mul3A_2, %dma_start3A_35] : memref<4096x128xf32, #tpu.memory_space<hbm>> -> memref<128x128xf32, #tpu.memory_space<hbm>>
    tpu.enqueue_dma source(%arg20 : memref<128x128xf32, #tpu.memory_space<vmem>>) target(%dma_start3A_36 : memref<128x128xf32, #tpu.memory_space<hbm>>) target_semaphore(%arg25 : memref<!tpu.dma_semaphore, #tpu.memory_space<semaphore_mem>>)
    %dma_start3A_37 = arith.constant 0 : i32
    %dma_start3A_38 = tpu.memref_slice %arg13[%mul3A_2, %dma_start3A_37] : memref<4096x64xf32, #tpu.memory_space<hbm>> -> memref<128x64xf32, #tpu.memory_space<hbm>>
    %dma_start3A_39 = arith.constant 0 : i32
    %dma_start3A_40 = tpu.memref_slice %arg13[%mul3A_2, %dma_start3A_39] : memref<4096x64xf32, #tpu.memory_space<hbm>> -> memref<128x64xf32, #tpu.memory_space<hbm>>
    tpu.enqueue_dma source(%arg21 : memref<128x64xf32, #tpu.memory_space<vmem>>) target(%dma_start3A_40 : memref<128x64xf32, #tpu.memory_space<hbm>>) target_semaphore(%arg25 : memref<!tpu.dma_semaphore, #tpu.memory_space<semaphore_mem>>)
    %scan3A = arith.constant 0 : i32
    %scan3A_41 = arith.constant 0 : i32
    %scan3A_42 = arith.constant 128 : i32
    %scan3A_43 = arith.addi %scan3A_41, %scan3A_42 : i32
    %scan3A_44 = arith.constant 1 : i32
    scf.for %scan3A_1112 = %scan3A_41 to %scan3A_43 step %scan3A_44  : i32 {
      %broadcast_in_dim3A = vector.broadcast %scan3A_1112 : i32 to vector<16xi32>
      %broadcast_in_dim3A_1113 = arith.constant 0.000000e+00 : f32
      %broadcast_in_dim3A_1114 = vector.broadcast %broadcast_in_dim3A_1113 : f32 to vector<16xf32>
      %get3A_1115 = arith.index_cast %scan3A_1112 : i32 to index
      %get3A_1116 = arith.constant 0 : index
      %get3A_1117 = tpu.vector_load %arg18[%get3A_1115, %get3A_1116] {strides = array<i32>} : memref<128x128xf32, #tpu.memory_space<vmem>>, vector<16xf32>,
      %get3A_1118 = arith.index_cast %scan3A_1112 : i32 to index
      %get3A_1119 = arith.constant 0 : index
      %get3A_1120 = tpu.vector_load %arg20[%get3A_1118, %get3A_1119] {strides = array<i32>} : memref<128x128xf32, #tpu.memory_space<vmem>>, vector<16xf32>,
      %get3A_1121 = arith.index_cast %scan3A_1112 : i32 to index
      %get3A_1122 = arith.constant 0 : index
      %get3A_1123 = tpu.vector_load %arg19[%get3A_1121, %get3A_1122] {strides = array<i32>} : memref<128x64xf32, #tpu.memory_space<vmem>>, vector<16xf32>,
      %add3A_1124 = arith.addf %get3A_1117, %get3A_1123 : vector<16xf32>
      %sub3A_1125 = arith.subf %add3A_1124, %get3A_1120 : vector<16xf32>
      %mul3A_1126 = arith.mulf %sub3A_1125, %sub3A_1125 : vector<16xf32>
      %add3A_1127 = arith.addf %broadcast_in_dim3A_1114, %mul3A_1126 : vector<16xf32>
      %get3A_1128 = arith.index_cast %scan3A_1112 : i32 to index
      %get3A_1129 = arith.constant 16 : index
      %get3A_1130 = tpu.vector_load %arg18[%get3A_1128, %get3A_1129] {strides = array<i32>} : memref<128x128xf32, #tpu.memory_space<vmem>>, vector<16xf32>,
      %get3A_1131 = arith.index_cast %scan3A_1112 : i32 to index
      %get3A_1132 = arith.constant 16 : index
      %get3A_1133 = tpu.vector_load %arg20[%get3A_1131, %get3A_1132] {strides = array<i32>} : memref<128x128xf32, #tpu.memory_space<vmem>>, vector<16xf32>,
      %get3A_1134 = arith.index_cast %scan3A_1112 : i32 to index
      %get3A_1135 = arith.constant 16 : index
      %get3A_1136 = tpu.vector_load %arg19[%get3A_1134, %get3A_1135] {strides = array<i32>} : memref<128x64xf32, #tpu.memory_space<vmem>>, vector<16xf32>,
      %add3A_1137 = arith.addf %get3A_1130, %get3A_1136 : vector<16xf32>
      %sub3A_1138 = arith.subf %add3A_1137, %get3A_1133 : vector<16xf32>
      %mul3A_1139 = arith.mulf %sub3A_1138, %sub3A_1138 : vector<16xf32>
      %add3A_1140 = arith.addf %add3A_1127, %mul3A_1139 : vector<16xf32>
      %get3A_1141 = arith.index_cast %scan3A_1112 : i32 to index
      %get3A_1142 = arith.constant 32 : index
      %get3A_1143 = tpu.vector_load %arg18[%get3A_1141, %get3A_1142] {strides = array<i32>} : memref<128x128xf32, #tpu.memory_space<vmem>>, vector<16xf32>,
      %get3A_1144 = arith.index_cast %scan3A_1112 : i32 to index
      %get3A_1145 = arith.constant 32 : index
      %get3A_1146 = tpu.vector_load %arg20[%get3A_1144, %get3A_1145] {strides = array<i32>} : memref<128x128xf32, #tpu.memory_space<vmem>>, vector<16xf32>,
      %get3A_1147 = arith.index_cast %scan3A_1112 : i32 to index
      %get3A_1148 = arith.constant 32 : index
      %get3A_1149 = tpu.vector_load %arg19[%get3A_1147, %get3A_1148] {strides = array<i32>} : memref<128x64xf32, #tpu.memory_space<vmem>>, vector<16xf32>,
      %add3A_1150 = arith.addf %get3A_1143, %get3A_1149 : vector<16xf32>
      %sub3A_1151 = arith.subf %add3A_1150, %get3A_1146 : vector<16xf32>
      %mul3A_1152 = arith.mulf %sub3A_1151, %sub3A_1151 : vector<16xf32>
      %add3A_1153 = arith.addf %add3A_1140, %mul3A_1152 : vector<16xf32>
      %get3A_1154 = arith.index_cast %scan3A_1112 : i32 to index
      %get3A_1155 = arith.constant 48 : index
      %get3A_1156 = tpu.vector_load %arg18[%get3A_1154, %get3A_1155] {strides = array<i32>} : memref<128x128xf32, #tpu.memory_space<vmem>>, vector<16xf32>,
      %get3A_1157 = arith.index_cast %scan3A_1112 : i32 to index
      %get3A_1158 = arith.constant 48 : index
      %get3A_1159 = tpu.vector_load %arg20[%get3A_1157, %get3A_1158] {strides = array<i32>} : memref<128x128xf32, #tpu.memory_space<vmem>>, vector<16xf32>,
      %get3A_1160 = arith.index_cast %scan3A_1112 : i32 to index
      %get3A_1161 = arith.constant 48 : index
      %get3A_1162 = tpu.vector_load %arg19[%get3A_1160, %get3A_1161] {strides = array<i32>} : memref<128x64xf32, #tpu.memory_space<vmem>>, vector<16xf32>,
      %add3A_1163 = arith.addf %get3A_1156, %get3A_1162 : vector<16xf32>
      %sub3A_1164 = arith.subf %add3A_1163, %get3A_1159 : vector<16xf32>
      %mul3A_1165 = arith.mulf %sub3A_1164, %sub3A_1164 : vector<16xf32>
      %add3A_1166 = arith.addf %add3A_1153, %mul3A_1165 : vector<16xf32>
      %get3A_1167 = arith.index_cast %scan3A_1112 : i32 to index
      %get3A_1168 = arith.constant 64 : index
      %get3A_1169 = tpu.vector_load %arg18[%get3A_1167, %get3A_1168] {strides = array<i32>} : memref<128x128xf32, #tpu.memory_space<vmem>>, vector<16xf32>,
      %get3A_1170 = arith.index_cast %scan3A_1112 : i32 to index
      %get3A_1171 = arith.constant 64 : index
      %get3A_1172 = tpu.vector_load %arg20[%get3A_1170, %get3A_1171] {strides = array<i32>} : memref<128x128xf32, #tpu.memory_space<vmem>>, vector<16xf32>,
      %get3A_1173 = arith.index_cast %scan3A_1112 : i32 to index
      %get3A_1174 = arith.constant 0 : index
      %get3A_1175 = tpu.vector_load %arg21[%get3A_1173, %get3A_1174] {strides = array<i32>} : memref<128x64xf32, #tpu.memory_space<vmem>>, vector<16xf32>,
      %add3A_1176 = arith.addf %get3A_1169, %get3A_1175 : vector<16xf32>
      %sub3A_1177 = arith.subf %add3A_1176, %get3A_1172 : vector<16xf32>
      %mul3A_1178 = arith.mulf %sub3A_1177, %sub3A_1177 : vector<16xf32>
      %add3A_1179 = arith.addf %add3A_1166, %mul3A_1178 : vector<16xf32>
      %get3A_1180 = arith.index_cast %scan3A_1112 : i32 to index
      %get3A_1181 = arith.constant 80 : index
      %get3A_1182 = tpu.vector_load %arg18[%get3A_1180, %get3A_1181] {strides = array<i32>} : memref<128x128xf32, #tpu.memory_space<vmem>>, vector<16xf32>,
      %get3A_1183 = arith.index_cast %scan3A_1112 : i32 to index
      %get3A_1184 = arith.constant 80 : index
      %get3A_1185 = tpu.vector_load %arg20[%get3A_1183, %get3A_1184] {strides = array<i32>} : memref<128x128xf32, #tpu.memory_space<vmem>>, vector<16xf32>,
      %get3A_1186 = arith.index_cast %scan3A_1112 : i32 to index
      %get3A_1187 = arith.constant 16 : index
      %get3A_1188 = tpu.vector_load %arg21[%get3A_1186, %get3A_1187] {strides = array<i32>} : memref<128x64xf32, #tpu.memory_space<vmem>>, vector<16xf32>,
      %add3A_1189 = arith.addf %get3A_1182, %get3A_1188 : vector<16xf32>
      %sub3A_1190 = arith.subf %add3A_1189, %get3A_1185 : vector<16xf32>
      %mul3A_1191 = arith.mulf %sub3A_1190, %sub3A_1190 : vector<16xf32>
      %add3A_1192 = arith.addf %add3A_1179, %mul3A_1191 : vector<16xf32>
      %get3A_1193 = arith.index_cast %scan3A_1112 : i32 to index
      %get3A_1194 = arith.constant 96 : index
      %get3A_1195 = tpu.vector_load %arg18[%get3A_1193, %get3A_1194] {strides = array<i32>} : memref<128x128xf32, #tpu.memory_space<vmem>>, vector<16xf32>,
      %get3A_1196 = arith.index_cast %scan3A_1112 : i32 to index
      %get3A_1197 = arith.constant 96 : index
      %get3A_1198 = tpu.vector_load %arg20[%get3A_1196, %get3A_1197] {strides = array<i32>} : memref<128x128xf32, #tpu.memory_space<vmem>>, vector<16xf32>,
      %get3A_1199 = arith.index_cast %scan3A_1112 : i32 to index
      %get3A_1200 = arith.constant 32 : index
      %get3A_1201 = tpu.vector_load %arg21[%get3A_1199, %get3A_1200] {strides = array<i32>} : memref<128x64xf32, #tpu.memory_space<vmem>>, vector<16xf32>,
      %add3A_1202 = arith.addf %get3A_1195, %get3A_1201 : vector<16xf32>
      %sub3A_1203 = arith.subf %add3A_1202, %get3A_1198 : vector<16xf32>
      %mul3A_1204 = arith.mulf %sub3A_1203, %sub3A_1203 : vector<16xf32>
      %add3A_1205 = arith.addf %add3A_1192, %mul3A_1204 : vector<16xf32>
      %get3A_1206 = arith.index_cast %scan3A_1112 : i32 to index
      %get3A_1207 = arith.constant 112 : index
      %get3A_1208 = tpu.vector_load %arg18[%get3A_1206, %get3A_1207] {strides = array<i32>} : memref<128x128xf32, #tpu.memory_space<vmem>>, vector<16xf32>,
      %get3A_1209 = arith.index_cast %scan3A_1112 : i32 to index
      %get3A_1210 = arith.constant 112 : index
      %get3A_1211 = tpu.vector_load %arg20[%get3A_1209, %get3A_1210] {strides = array<i32>} : memref<128x128xf32, #tpu.memory_space<vmem>>, vector<16xf32>,
      %get3A_1212 = arith.index_cast %scan3A_1112 : i32 to index
      %get3A_1213 = arith.constant 48 : index
      %get3A_1214 = tpu.vector_load %arg21[%get3A_1212, %get3A_1213] {strides = array<i32>} : memref<128x64xf32, #tpu.memory_space<vmem>>, vector<16xf32>,
      %add3A_1215 = arith.addf %get3A_1208, %get3A_1214 : vector<16xf32>
      %sub3A_1216 = arith.subf %add3A_1215, %get3A_1211 : vector<16xf32>
      %mul3A_1217 = arith.mulf %sub3A_1216, %sub3A_1216 : vector<16xf32>
      %add3A_1218 = arith.addf %add3A_1205, %mul3A_1217 : vector<16xf32>
      tpu.vector_store_idx %arg22[%iota3A, %broadcast_in_dim3A], %add3A_1218 : memref<16x129xf32, #tpu.memory_space<vmem>>[vector<16xi32>, vector<16xi32>], vector<16xf32>,
    }
    %scan3A_45 = arith.constant 128 : i32
    %get3A = arith.constant 0 : i32
    %get3A_46 = arith.index_cast %get3A : i32 to index
    %get3A_47 = arith.constant 0 : index
    %get3A_48 = tpu.vector_load %arg22[%get3A_46, %get3A_47] {strides = array<i32>} : memref<16x129xf32, #tpu.memory_space<vmem>>, vector<16xf32>,
    %get3A_49 = arith.constant 1 : i32
    %get3A_50 = arith.index_cast %get3A_49 : i32 to index
    %get3A_51 = arith.constant 0 : index
    %get3A_52 = tpu.vector_load %arg22[%get3A_50, %get3A_51] {strides = array<i32>} : memref<16x129xf32, #tpu.memory_space<vmem>>, vector<16xf32>,
    %add3A_53 = arith.addf %get3A_48, %get3A_52 : vector<16xf32>
    %get3A_54 = arith.constant 2 : i32
    %get3A_55 = arith.index_cast %get3A_54 : i32 to index
    %get3A_56 = arith.constant 0 : index
    %get3A_57 = tpu.vector_load %arg22[%get3A_55, %get3A_56] {strides = array<i32>} : memref<16x129xf32, #tpu.memory_space<vmem>>, vector<16xf32>,
    %add3A_58 = arith.addf %add3A_53, %get3A_57 : vector<16xf32>
    %get3A_59 = arith.constant 3 : i32
    %get3A_60 = arith.index_cast %get3A_59 : i32 to index
    %get3A_61 = arith.constant 0 : index
    %get3A_62 = tpu.vector_load %arg22[%get3A_60, %get3A_61] {strides = array<i32>} : memref<16x129xf32, #tpu.memory_space<vmem>>, vector<16xf32>,
    %add3A_63 = arith.addf %add3A_58, %get3A_62 : vector<16xf32>
    %get3A_64 = arith.constant 4 : i32
    %get3A_65 = arith.index_cast %get3A_64 : i32 to index
    %get3A_66 = arith.constant 0 : index
    %get3A_67 = tpu.vector_load %arg22[%get3A_65, %get3A_66] {strides = array<i32>} : memref<16x129xf32, #tpu.memory_space<vmem>>, vector<16xf32>,
    %add3A_68 = arith.addf %add3A_63, %get3A_67 : vector<16xf32>
    %get3A_69 = arith.constant 5 : i32
    %get3A_70 = arith.index_cast %get3A_69 : i32 to index
    %get3A_71 = arith.constant 0 : index
    %get3A_72 = tpu.vector_load %arg22[%get3A_70, %get3A_71] {strides = array<i32>} : memref<16x129xf32, #tpu.memory_space<vmem>>, vector<16xf32>,
    %add3A_73 = arith.addf %add3A_68, %get3A_72 : vector<16xf32>
    %get3A_74 = arith.constant 6 : i32
    %get3A_75 = arith.index_cast %get3A_74 : i32 to index
    %get3A_76 = arith.constant 0 : index
    %get3A_77 = tpu.vector_load %arg22[%get3A_75, %get3A_76] {strides = array<i32>} : memref<16x129xf32, #tpu.memory_space<vmem>>, vector<16xf32>,
    %add3A_78 = arith.addf %add3A_73, %get3A_77 : vector<16xf32>
    %get3A_79 = arith.constant 7 : i32
    %get3A_80 = arith.index_cast %get3A_79 : i32 to index
    %get3A_81 = arith.constant 0 : index
    %get3A_82 = tpu.vector_load %arg22[%get3A_80, %get3A_81] {strides = array<i32>} : memref<16x129xf32, #tpu.memory_space<vmem>>, vector<16xf32>,
    %add3A_83 = arith.addf %add3A_78, %get3A_82 : vector<16xf32>
    %get3A_84 = arith.constant 8 : i32
    %get3A_85 = arith.index_cast %get3A_84 : i32 to index
    %get3A_86 = arith.constant 0 : index
    %get3A_87 = tpu.vector_load %arg22[%get3A_85, %get3A_86] {strides = array<i32>} : memref<16x129xf32, #tpu.memory_space<vmem>>, vector<16xf32>,
    %add3A_88 = arith.addf %add3A_83, %get3A_87 : vector<16xf32>
    %get3A_89 = arith.constant 9 : i32
    %get3A_90 = arith.index_cast %get3A_89 : i32 to index
    %get3A_91 = arith.constant 0 : index
    %get3A_92 = tpu.vector_load %arg22[%get3A_90, %get3A_91] {strides = array<i32>} : memref<16x129xf32, #tpu.memory_space<vmem>>, vector<16xf32>,
    %add3A_93 = arith.addf %add3A_88, %get3A_92 : vector<16xf32>
    %get3A_94 = arith.constant 10 : i32
    %get3A_95 = arith.index_cast %get3A_94 : i32 to index
    %get3A_96 = arith.constant 0 : index
    %get3A_97 = tpu.vector_load %arg22[%get3A_95, %get3A_96] {strides = array<i32>} : memref<16x129xf32, #tpu.memory_space<vmem>>, vector<16xf32>,
    %add3A_98 = arith.addf %add3A_93, %get3A_97 : vector<16xf32>
    %get3A_99 = arith.constant 11 : i32
    %get3A_100 = arith.index_cast %get3A_99 : i32 to index
    %get3A_101 = arith.constant 0 : index
    %get3A_102 = tpu.vector_load %arg22[%get3A_100, %get3A_101] {strides = array<i32>} : memref<16x129xf32, #tpu.memory_space<vmem>>, vector<16xf32>,
    %add3A_103 = arith.addf %add3A_98, %get3A_102 : vector<16xf32>
    %get3A_104 = arith.constant 12 : i32
    %get3A_105 = arith.index_cast %get3A_104 : i32 to index
    %get3A_106 = arith.constant 0 : index
    %get3A_107 = tpu.vector_load %arg22[%get3A_105, %get3A_106] {strides = array<i32>} : memref<16x129xf32, #tpu.memory_space<vmem>>, vector<16xf32>,
    %add3A_108 = arith.addf %add3A_103, %get3A_107 : vector<16xf32>
    %get3A_109 = arith.constant 13 : i32
    %get3A_110 = arith.index_cast %get3A_109 : i32 to index
    %get3A_111 = arith.constant 0 : index
    %get3A_112 = tpu.vector_load %arg22[%get3A_110, %get3A_111] {strides = array<i32>} : memref<16x129xf32, #tpu.memory_space<vmem>>, vector<16xf32>,
    %add3A_113 = arith.addf %add3A_108, %get3A_112 : vector<16xf32>
    %get3A_114 = arith.constant 14 : i32
    %get3A_115 = arith.index_cast %get3A_114 : i32 to index
    %get3A_116 = arith.constant 0 : index
    %get3A_117 = tpu.vector_load %arg22[%get3A_115, %get3A_116] {strides = array<i32>} : memref<16x129xf32, #tpu.memory_space<vmem>>, vector<16xf32>,
    %add3A_118 = arith.addf %add3A_113, %get3A_117 : vector<16xf32>
    %get3A_119 = arith.constant 15 : i32
    %get3A_120 = arith.index_cast %get3A_119 : i32 to index
    %get3A_121 = arith.constant 0 : index
    %get3A_122 = tpu.vector_load %arg22[%get3A_120, %get3A_121] {strides = array<i32>} : memref<16x129xf32, #tpu.memory_space<vmem>>, vector<16xf32>,
    %add3A_123 = arith.addf %add3A_118, %get3A_122 : vector<16xf32>
    %max3A = arith.constant 1.000000e-30 : f32
    %max3A_124 = vector.broadcast %max3A : f32 to vector<16xf32>
    %max3A_125 = arith.maximumf %add3A_123, %max3A_124 : vector<16xf32>
    %bitcast_convert_type3A = tpu.bitcast %max3A_125 : vector<16xf32> -> vector<16xi32>
    %shift_right_arithmetic3A = arith.constant 1 : i32
    %shift_right_arithmetic3A_126 = vector.broadcast %shift_right_arithmetic3A : i32 to vector<16xi32>
    %shift_right_arithmetic3A_127 = arith.shrsi %bitcast_convert_type3A, %shift_right_arithmetic3A_126 : vector<16xi32>
    %sub3A = arith.constant 1597463007 : i32
    %sub3A_128 = vector.broadcast %sub3A : i32 to vector<16xi32>
    %sub3A_129 = arith.subi %sub3A_128, %shift_right_arithmetic3A_127 : vector<16xi32>
    %bitcast_convert_type3A_130 = tpu.bitcast %sub3A_129 : vector<16xi32> -> vector<16xf32>
    %mul3A_131 = arith.constant 5.000000e-01 : f32
    %mul3A_132 = vector.broadcast %mul3A_131 : f32 to vector<16xf32>
    %mul3A_133 = arith.mulf %mul3A_132, %max3A_125 : vector<16xf32>
    %mul3A_134 = arith.mulf %mul3A_133, %bitcast_convert_type3A_130 : vector<16xf32>
    %mul3A_135 = arith.mulf %mul3A_134, %bitcast_convert_type3A_130 : vector<16xf32>
    %sub3A_136 = arith.constant 1.500000e+00 : f32
    %sub3A_137 = vector.broadcast %sub3A_136 : f32 to vector<16xf32>
    %sub3A_138 = arith.subf %sub3A_137, %mul3A_135 : vector<16xf32>
    %mul3A_139 = arith.mulf %bitcast_convert_type3A_130, %sub3A_138 : vector<16xf32>
    %mul3A_140 = arith.constant 5.000000e-01 : f32
    %mul3A_141 = vector.broadcast %mul3A_140 : f32 to vector<16xf32>
    %mul3A_142 = arith.mulf %mul3A_141, %max3A_125 : vector<16xf32>
    %mul3A_143 = arith.mulf %mul3A_142, %mul3A_139 : vector<16xf32>
    %mul3A_144 = arith.mulf %mul3A_143, %mul3A_139 : vector<16xf32>
    %sub3A_145 = arith.constant 1.500000e+00 : f32
    %sub3A_146 = vector.broadcast %sub3A_145 : f32 to vector<16xf32>
    %sub3A_147 = arith.subf %sub3A_146, %mul3A_144 : vector<16xf32>
    %mul3A_148 = arith.mulf %mul3A_139, %sub3A_147 : vector<16xf32>
    %mul3A_149 = arith.constant 5.000000e-01 : f32
    %mul3A_150 = vector.broadcast %mul3A_149 : f32 to vector<16xf32>
    %mul3A_151 = arith.mulf %mul3A_150, %max3A_125 : vector<16xf32>
    %mul3A_152 = arith.mulf %mul3A_151, %mul3A_148 : vector<16xf32>
    %mul3A_153 = arith.mulf %mul3A_152, %mul3A_148 : vector<16xf32>
    %sub3A_154 = arith.constant 1.500000e+00 : f32
    %sub3A_155 = vector.broadcast %sub3A_154 : f32 to vector<16xf32>
    %sub3A_156 = arith.subf %sub3A_155, %mul3A_153 : vector<16xf32>
    %mul3A_157 = arith.mulf %mul3A_148, %sub3A_156 : vector<16xf32>
    %mul3A_158 = arith.constant 5.000000e-01 : f32
    %mul3A_159 = vector.broadcast %mul3A_158 : f32 to vector<16xf32>
    %mul3A_160 = arith.mulf %mul3A_159, %max3A_125 : vector<16xf32>
    %mul3A_161 = arith.mulf %mul3A_160, %mul3A_157 : vector<16xf32>
    %mul3A_162 = arith.mulf %mul3A_161, %mul3A_157 : vector<16xf32>
    %sub3A_163 = arith.constant 1.500000e+00 : f32
    %sub3A_164 = vector.broadcast %sub3A_163 : f32 to vector<16xf32>
    %sub3A_165 = arith.subf %sub3A_164, %mul3A_162 : vector<16xf32>
    %mul3A_166 = arith.mulf %mul3A_157, %sub3A_165 : vector<16xf32>
    %mul3A_167 = arith.mulf %add3A_123, %mul3A_166 : vector<16xf32>
    %sub3A_168 = arith.constant 1.000000e+00 : f32
    %sub3A_169 = vector.broadcast %sub3A_168 : f32 to vector<16xf32>
    %sub3A_170 = arith.subf %sub3A_169, %mul3A_167 : vector<16xf32>
    %swap3A = arith.constant 0 : index
    %swap3A_171 = tpu.vector_load %arg23[%swap3A] {strides = array<i32>} : memref<128xf32, #tpu.memory_space<vmem>>, vector<16xf32>,
    tpu.vector_store %arg23[%swap3A], %sub3A_170 {strides = array<i32>} : memref<128xf32, #tpu.memory_space<vmem>>, vector<16xf32>,
    %get3A_172 = arith.constant 0 : i32
    %get3A_173 = arith.index_cast %get3A_172 : i32 to index
    %get3A_174 = arith.constant 16 : index
    %get3A_175 = tpu.vector_load %arg22[%get3A_173, %get3A_174] {strides = array<i32>} : memref<16x129xf32, #tpu.memory_space<vmem>>, vector<16xf32>,
    %get3A_176 = arith.constant 1 : i32
    %get3A_177 = arith.index_cast %get3A_176 : i32 to index
    %get3A_178 = arith.constant 16 : index
    %get3A_179 = tpu.vector_load %arg22[%get3A_177, %get3A_178] {strides = array<i32>} : memref<16x129xf32, #tpu.memory_space<vmem>>, vector<16xf32>,
    %add3A_180 = arith.addf %get3A_175, %get3A_179 : vector<16xf32>
    %get3A_181 = arith.constant 2 : i32
    %get3A_182 = arith.index_cast %get3A_181 : i32 to index
    %get3A_183 = arith.constant 16 : index
    %get3A_184 = tpu.vector_load %arg22[%get3A_182, %get3A_183] {strides = array<i32>} : memref<16x129xf32, #tpu.memory_space<vmem>>, vector<16xf32>,
    %add3A_185 = arith.addf %add3A_180, %get3A_184 : vector<16xf32>
    %get3A_186 = arith.constant 3 : i32
    %get3A_187 = arith.index_cast %get3A_186 : i32 to index
    %get3A_188 = arith.constant 16 : index
    %get3A_189 = tpu.vector_load %arg22[%get3A_187, %get3A_188] {strides = array<i32>} : memref<16x129xf32, #tpu.memory_space<vmem>>, vector<16xf32>,
    %add3A_190 = arith.addf %add3A_185, %get3A_189 : vector<16xf32>
    %get3A_191 = arith.constant 4 : i32
    %get3A_192 = arith.index_cast %get3A_191 : i32 to index
    %get3A_193 = arith.constant 16 : index
    %get3A_194 = tpu.vector_load %arg22[%get3A_192, %get3A_193] {strides = array<i32>} : memref<16x129xf32, #tpu.memory_space<vmem>>, vector<16xf32>,
    %add3A_195 = arith.addf %add3A_190, %get3A_194 : vector<16xf32>
    %get3A_196 = arith.constant 5 : i32
    %get3A_197 = arith.index_cast %get3A_196 : i32 to index
    %get3A_198 = arith.constant 16 : index
    %get3A_199 = tpu.vector_load %arg22[%get3A_197, %get3A_198] {strides = array<i32>} : memref<16x129xf32, #tpu.memory_space<vmem>>, vector<16xf32>,
    %add3A_200 = arith.addf %add3A_195, %get3A_199 : vector<16xf32>
    %get3A_201 = arith.constant 6 : i32
    %get3A_202 = arith.index_cast %get3A_201 : i32 to index
    %get3A_203 = arith.constant 16 : index
    %get3A_204 = tpu.vector_load %arg22[%get3A_202, %get3A_203] {strides = array<i32>} : memref<16x129xf32, #tpu.memory_space<vmem>>, vector<16xf32>,
    %add3A_205 = arith.addf %add3A_200, %get3A_204 : vector<16xf32>
    %get3A_206 = arith.constant 7 : i32
    %get3A_207 = arith.index_cast %get3A_206 : i32 to index
    %get3A_208 = arith.constant 16 : index
    %get3A_209 = tpu.vector_load %arg22[%get3A_207, %get3A_208] {strides = array<i32>} : memref<16x129xf32, #tpu.memory_space<vmem>>, vector<16xf32>,
    %add3A_210 = arith.addf %add3A_205, %get3A_209 : vector<16xf32>
    %get3A_211 = arith.constant 8 : i32
    %get3A_212 = arith.index_cast %get3A_211 : i32 to index
    %get3A_213 = arith.constant 16 : index
    %get3A_214 = tpu.vector_load %arg22[%get3A_212, %get3A_213] {strides = array<i32>} : memref<16x129xf32, #tpu.memory_space<vmem>>, vector<16xf32>,
    %add3A_215 = arith.addf %add3A_210, %get3A_214 : vector<16xf32>
    %get3A_216 = arith.constant 9 : i32
    %get3A_217 = arith.index_cast %get3A_216 : i32 to index
    %get3A_218 = arith.constant 16 : index
    %get3A_219 = tpu.vector_load %arg22[%get3A_217, %get3A_218] {strides = array<i32>} : memref<16x129xf32, #tpu.memory_space<vmem>>, vector<16xf32>,
    %add3A_220 = arith.addf %add3A_215, %get3A_219 : vector<16xf32>
    %get3A_221 = arith.constant 10 : i32
    %get3A_222 = arith.index_cast %get3A_221 : i32 to index
    %get3A_223 = arith.constant 16 : index
    %get3A_224 = tpu.vector_load %arg22[%get3A_222, %get3A_223] {strides = array<i32>} : memref<16x129xf32, #tpu.memory_space<vmem>>, vector<16xf32>,
    %add3A_225 = arith.addf %add3A_220, %get3A_224 : vector<16xf32>
    %get3A_226 = arith.constant 11 : i32
    %get3A_227 = arith.index_cast %get3A_226 : i32 to index
    %get3A_228 = arith.constant 16 : index
    %get3A_229 = tpu.vector_load %arg22[%get3A_227, %get3A_228] {strides = array<i32>} : memref<16x129xf32, #tpu.memory_space<vmem>>, vector<16xf32>,
    %add3A_230 = arith.addf %add3A_225, %get3A_229 : vector<16xf32>
    %get3A_231 = arith.constant 12 : i32
    %get3A_232 = arith.index_cast %get3A_231 : i32 to index
    %get3A_233 = arith.constant 16 : index
    %get3A_234 = tpu.vector_load %arg22[%get3A_232, %get3A_233] {strides = array<i32>} : memref<16x129xf32, #tpu.memory_space<vmem>>, vector<16xf32>,
    %add3A_235 = arith.addf %add3A_230, %get3A_234 : vector<16xf32>
    %get3A_236 = arith.constant 13 : i32
    %get3A_237 = arith.index_cast %get3A_236 : i32 to index
    %get3A_238 = arith.constant 16 : index
    %get3A_239 = tpu.vector_load %arg22[%get3A_237, %get3A_238] {strides = array<i32>} : memref<16x129xf32, #tpu.memory_space<vmem>>, vector<16xf32>,
    %add3A_240 = arith.addf %add3A_235, %get3A_239 : vector<16xf32>
    %get3A_241 = arith.constant 14 : i32
    %get3A_242 = arith.index_cast %get3A_241 : i32 to index
    %get3A_243 = arith.constant 16 : index
    %get3A_244 = tpu.vector_load %arg22[%get3A_242, %get3A_243] {strides = array<i32>} : memref<16x129xf32, #tpu.memory_space<vmem>>, vector<16xf32>,
    %add3A_245 = arith.addf %add3A_240, %get3A_244 : vector<16xf32>
    %get3A_246 = arith.constant 15 : i32
    %get3A_247 = arith.index_cast %get3A_246 : i32 to index
    %get3A_248 = arith.constant 16 : index
    %get3A_249 = tpu.vector_load %arg22[%get3A_247, %get3A_248] {strides = array<i32>} : memref<16x129xf32, #tpu.memory_space<vmem>>, vector<16xf32>,
    %add3A_250 = arith.addf %add3A_245, %get3A_249 : vector<16xf32>
    %max3A_251 = arith.constant 1.000000e-30 : f32
    %max3A_252 = vector.broadcast %max3A_251 : f32 to vector<16xf32>
    %max3A_253 = arith.maximumf %add3A_250, %max3A_252 : vector<16xf32>
    %bitcast_convert_type3A_254 = tpu.bitcast %max3A_253 : vector<16xf32> -> vector<16xi32>
    %shift_right_arithmetic3A_255 = arith.constant 1 : i32
    %shift_right_arithmetic3A_256 = vector.broadcast %shift_right_arithmetic3A_255 : i32 to vector<16xi32>
    %shift_right_arithmetic3A_257 = arith.shrsi %bitcast_convert_type3A_254, %shift_right_arithmetic3A_256 : vector<16xi32>
    %sub3A_258 = arith.constant 1597463007 : i32
    %sub3A_259 = vector.broadcast %sub3A_258 : i32 to vector<16xi32>
    %sub3A_260 = arith.subi %sub3A_259, %shift_right_arithmetic3A_257 : vector<16xi32>
    %bitcast_convert_type3A_261 = tpu.bitcast %sub3A_260 : vector<16xi32> -> vector<16xf32>
    %mul3A_262 = arith.constant 5.000000e-01 : f32
    %mul3A_263 = vector.broadcast %mul3A_262 : f32 to vector<16xf32>
    %mul3A_264 = arith.mulf %mul3A_263, %max3A_253 : vector<16xf32>
    %mul3A_265 = arith.mulf %mul3A_264, %bitcast_convert_type3A_261 : vector<16xf32>
    %mul3A_266 = arith.mulf %mul3A_265, %bitcast_convert_type3A_261 : vector<16xf32>
    %sub3A_267 = arith.constant 1.500000e+00 : f32
    %sub3A_268 = vector.broadcast %sub3A_267 : f32 to vector<16xf32>
    %sub3A_269 = arith.subf %sub3A_268, %mul3A_266 : vector<16xf32>
    %mul3A_270 = arith.mulf %bitcast_convert_type3A_261, %sub3A_269 : vector<16xf32>
    %mul3A_271 = arith.constant 5.000000e-01 : f32
    %mul3A_272 = vector.broadcast %mul3A_271 : f32 to vector<16xf32>
    %mul3A_273 = arith.mulf %mul3A_272, %max3A_253 : vector<16xf32>
    %mul3A_274 = arith.mulf %mul3A_273, %mul3A_270 : vector<16xf32>
    %mul3A_275 = arith.mulf %mul3A_274, %mul3A_270 : vector<16xf32>
    %sub3A_276 = arith.constant 1.500000e+00 : f32
    %sub3A_277 = vector.broadcast %sub3A_276 : f32 to vector<16xf32>
    %sub3A_278 = arith.subf %sub3A_277, %mul3A_275 : vector<16xf32>
    %mul3A_279 = arith.mulf %mul3A_270, %sub3A_278 : vector<16xf32>
    %mul3A_280 = arith.constant 5.000000e-01 : f32
    %mul3A_281 = vector.broadcast %mul3A_280 : f32 to vector<16xf32>
    %mul3A_282 = arith.mulf %mul3A_281, %max3A_253 : vector<16xf32>
    %mul3A_283 = arith.mulf %mul3A_282, %mul3A_279 : vector<16xf32>
    %mul3A_284 = arith.mulf %mul3A_283, %mul3A_279 : vector<16xf32>
    %sub3A_285 = arith.constant 1.500000e+00 : f32
    %sub3A_286 = vector.broadcast %sub3A_285 : f32 to vector<16xf32>
    %sub3A_287 = arith.subf %sub3A_286, %mul3A_284 : vector<16xf32>
    %mul3A_288 = arith.mulf %mul3A_279, %sub3A_287 : vector<16xf32>
    %mul3A_289 = arith.constant 5.000000e-01 : f32
    %mul3A_290 = vector.broadcast %mul3A_289 : f32 to vector<16xf32>
    %mul3A_291 = arith.mulf %mul3A_290, %max3A_253 : vector<16xf32>
    %mul3A_292 = arith.mulf %mul3A_291, %mul3A_288 : vector<16xf32>
    %mul3A_293 = arith.mulf %mul3A_292, %mul3A_288 : vector<16xf32>
    %sub3A_294 = arith.constant 1.500000e+00 : f32
    %sub3A_295 = vector.broadcast %sub3A_294 : f32 to vector<16xf32>
    %sub3A_296 = arith.subf %sub3A_295, %mul3A_293 : vector<16xf32>
    %mul3A_297 = arith.mulf %mul3A_288, %sub3A_296 : vector<16xf32>
    %mul3A_298 = arith.mulf %add3A_250, %mul3A_297 : vector<16xf32>
    %sub3A_299 = arith.constant 1.000000e+00 : f32
    %sub3A_300 = vector.broadcast %sub3A_299 : f32 to vector<16xf32>
    %sub3A_301 = arith.subf %sub3A_300, %mul3A_298 : vector<16xf32>
    %swap3A_302 = arith.constant 16 : index
    %swap3A_303 = tpu.vector_load %arg23[%swap3A_302] {strides = array<i32>} : memref<128xf32, #tpu.memory_space<vmem>>, vector<16xf32>,
    tpu.vector_store %arg23[%swap3A_302], %sub3A_301 {strides = array<i32>} : memref<128xf32, #tpu.memory_space<vmem>>, vector<16xf32>,
    %get3A_304 = arith.constant 0 : i32
    %get3A_305 = arith.index_cast %get3A_304 : i32 to index
    %get3A_306 = arith.constant 32 : index
    %get3A_307 = tpu.vector_load %arg22[%get3A_305, %get3A_306] {strides = array<i32>} : memref<16x129xf32, #tpu.memory_space<vmem>>, vector<16xf32>,
    %get3A_308 = arith.constant 1 : i32
    %get3A_309 = arith.index_cast %get3A_308 : i32 to index
    %get3A_310 = arith.constant 32 : index
    %get3A_311 = tpu.vector_load %arg22[%get3A_309, %get3A_310] {strides = array<i32>} : memref<16x129xf32, #tpu.memory_space<vmem>>, vector<16xf32>,
    %add3A_312 = arith.addf %get3A_307, %get3A_311 : vector<16xf32>
    %get3A_313 = arith.constant 2 : i32
    %get3A_314 = arith.index_cast %get3A_313 : i32 to index
    %get3A_315 = arith.constant 32 : index
    %get3A_316 = tpu.vector_load %arg22[%get3A_314, %get3A_315] {strides = array<i32>} : memref<16x129xf32, #tpu.memory_space<vmem>>, vector<16xf32>,
    %add3A_317 = arith.addf %add3A_312, %get3A_316 : vector<16xf32>
    %get3A_318 = arith.constant 3 : i32
    %get3A_319 = arith.index_cast %get3A_318 : i32 to index
    %get3A_320 = arith.constant 32 : index
    %get3A_321 = tpu.vector_load %arg22[%get3A_319, %get3A_320] {strides = array<i32>} : memref<16x129xf32, #tpu.memory_space<vmem>>, vector<16xf32>,
    %add3A_322 = arith.addf %add3A_317, %get3A_321 : vector<16xf32>
    %get3A_323 = arith.constant 4 : i32
    %get3A_324 = arith.index_cast %get3A_323 : i32 to index
    %get3A_325 = arith.constant 32 : index
    %get3A_326 = tpu.vector_load %arg22[%get3A_324, %get3A_325] {strides = array<i32>} : memref<16x129xf32, #tpu.memory_space<vmem>>, vector<16xf32>,
    %add3A_327 = arith.addf %add3A_322, %get3A_326 : vector<16xf32>
    %get3A_328 = arith.constant 5 : i32
    %get3A_329 = arith.index_cast %get3A_328 : i32 to index
    %get3A_330 = arith.constant 32 : index
    %get3A_331 = tpu.vector_load %arg22[%get3A_329, %get3A_330] {strides = array<i32>} : memref<16x129xf32, #tpu.memory_space<vmem>>, vector<16xf32>,
    %add3A_332 = arith.addf %add3A_327, %get3A_331 : vector<16xf32>
    %get3A_333 = arith.constant 6 : i32
    %get3A_334 = arith.index_cast %get3A_333 : i32 to index
    %get3A_335 = arith.constant 32 : index
    %get3A_336 = tpu.vector_load %arg22[%get3A_334, %get3A_335] {strides = array<i32>} : memref<16x129xf32, #tpu.memory_space<vmem>>, vector<16xf32>,
    %add3A_337 = arith.addf %add3A_332, %get3A_336 : vector<16xf32>
    %get3A_338 = arith.constant 7 : i32
    %get3A_339 = arith.index_cast %get3A_338 : i32 to index
    %get3A_340 = arith.constant 32 : index
    %get3A_341 = tpu.vector_load %arg22[%get3A_339, %get3A_340] {strides = array<i32>} : memref<16x129xf32, #tpu.memory_space<vmem>>, vector<16xf32>,
    %add3A_342 = arith.addf %add3A_337, %get3A_341 : vector<16xf32>
    %get3A_343 = arith.constant 8 : i32
    %get3A_344 = arith.index_cast %get3A_343 : i32 to index
    %get3A_345 = arith.constant 32 : index
    %get3A_346 = tpu.vector_load %arg22[%get3A_344, %get3A_345] {strides = array<i32>} : memref<16x129xf32, #tpu.memory_space<vmem>>, vector<16xf32>,
    %add3A_347 = arith.addf %add3A_342, %get3A_346 : vector<16xf32>
    %get3A_348 = arith.constant 9 : i32
    %get3A_349 = arith.index_cast %get3A_348 : i32 to index
    %get3A_350 = arith.constant 32 : index
    %get3A_351 = tpu.vector_load %arg22[%get3A_349, %get3A_350] {strides = array<i32>} : memref<16x129xf32, #tpu.memory_space<vmem>>, vector<16xf32>,
    %add3A_352 = arith.addf %add3A_347, %get3A_351 : vector<16xf32>
    %get3A_353 = arith.constant 10 : i32
    %get3A_354 = arith.index_cast %get3A_353 : i32 to index
    %get3A_355 = arith.constant 32 : index
    %get3A_356 = tpu.vector_load %arg22[%get3A_354, %get3A_355] {strides = array<i32>} : memref<16x129xf32, #tpu.memory_space<vmem>>, vector<16xf32>,
    %add3A_357 = arith.addf %add3A_352, %get3A_356 : vector<16xf32>
    %get3A_358 = arith.constant 11 : i32
    %get3A_359 = arith.index_cast %get3A_358 : i32 to index
    %get3A_360 = arith.constant 32 : index
    %get3A_361 = tpu.vector_load %arg22[%get3A_359, %get3A_360] {strides = array<i32>} : memref<16x129xf32, #tpu.memory_space<vmem>>, vector<16xf32>,
    %add3A_362 = arith.addf %add3A_357, %get3A_361 : vector<16xf32>
    %get3A_363 = arith.constant 12 : i32
    %get3A_364 = arith.index_cast %get3A_363 : i32 to index
    %get3A_365 = arith.constant 32 : index
    %get3A_366 = tpu.vector_load %arg22[%get3A_364, %get3A_365] {strides = array<i32>} : memref<16x129xf32, #tpu.memory_space<vmem>>, vector<16xf32>,
    %add3A_367 = arith.addf %add3A_362, %get3A_366 : vector<16xf32>
    %get3A_368 = arith.constant 13 : i32
    %get3A_369 = arith.index_cast %get3A_368 : i32 to index
    %get3A_370 = arith.constant 32 : index
    %get3A_371 = tpu.vector_load %arg22[%get3A_369, %get3A_370] {strides = array<i32>} : memref<16x129xf32, #tpu.memory_space<vmem>>, vector<16xf32>,
    %add3A_372 = arith.addf %add3A_367, %get3A_371 : vector<16xf32>
    %get3A_373 = arith.constant 14 : i32
    %get3A_374 = arith.index_cast %get3A_373 : i32 to index
    %get3A_375 = arith.constant 32 : index
    %get3A_376 = tpu.vector_load %arg22[%get3A_374, %get3A_375] {strides = array<i32>} : memref<16x129xf32, #tpu.memory_space<vmem>>, vector<16xf32>,
    %add3A_377 = arith.addf %add3A_372, %get3A_376 : vector<16xf32>
    %get3A_378 = arith.constant 15 : i32
    %get3A_379 = arith.index_cast %get3A_378 : i32 to index
    %get3A_380 = arith.constant 32 : index
    %get3A_381 = tpu.vector_load %arg22[%get3A_379, %get3A_380] {strides = array<i32>} : memref<16x129xf32, #tpu.memory_space<vmem>>, vector<16xf32>,
    %add3A_382 = arith.addf %add3A_377, %get3A_381 : vector<16xf32>
    %max3A_383 = arith.constant 1.000000e-30 : f32
    %max3A_384 = vector.broadcast %max3A_383 : f32 to vector<16xf32>
    %max3A_385 = arith.maximumf %add3A_382, %max3A_384 : vector<16xf32>
    %bitcast_convert_type3A_386 = tpu.bitcast %max3A_385 : vector<16xf32> -> vector<16xi32>
    %shift_right_arithmetic3A_387 = arith.constant 1 : i32
    %shift_right_arithmetic3A_388 = vector.broadcast %shift_right_arithmetic3A_387 : i32 to vector<16xi32>
    %shift_right_arithmetic3A_389 = arith.shrsi %bitcast_convert_type3A_386, %shift_right_arithmetic3A_388 : vector<16xi32>
    %sub3A_390 = arith.constant 1597463007 : i32
    %sub3A_391 = vector.broadcast %sub3A_390 : i32 to vector<16xi32>
    %sub3A_392 = arith.subi %sub3A_391, %shift_right_arithmetic3A_389 : vector<16xi32>
    %bitcast_convert_type3A_393 = tpu.bitcast %sub3A_392 : vector<16xi32> -> vector<16xf32>
    %mul3A_394 = arith.constant 5.000000e-01 : f32
    %mul3A_395 = vector.broadcast %mul3A_394 : f32 to vector<16xf32>
    %mul3A_396 = arith.mulf %mul3A_395, %max3A_385 : vector<16xf32>
    %mul3A_397 = arith.mulf %mul3A_396, %bitcast_convert_type3A_393 : vector<16xf32>
    %mul3A_398 = arith.mulf %mul3A_397, %bitcast_convert_type3A_393 : vector<16xf32>
    %sub3A_399 = arith.constant 1.500000e+00 : f32
    %sub3A_400 = vector.broadcast %sub3A_399 : f32 to vector<16xf32>
    %sub3A_401 = arith.subf %sub3A_400, %mul3A_398 : vector<16xf32>
    %mul3A_402 = arith.mulf %bitcast_convert_type3A_393, %sub3A_401 : vector<16xf32>
    %mul3A_403 = arith.constant 5.000000e-01 : f32
    %mul3A_404 = vector.broadcast %mul3A_403 : f32 to vector<16xf32>
    %mul3A_405 = arith.mulf %mul3A_404, %max3A_385 : vector<16xf32>
    %mul3A_406 = arith.mulf %mul3A_405, %mul3A_402 : vector<16xf32>
    %mul3A_407 = arith.mulf %mul3A_406, %mul3A_402 : vector<16xf32>
    %sub3A_408 = arith.constant 1.500000e+00 : f32
    %sub3A_409 = vector.broadcast %sub3A_408 : f32 to vector<16xf32>
    %sub3A_410 = arith.subf %sub3A_409, %mul3A_407 : vector<16xf32>
    %mul3A_411 = arith.mulf %mul3A_402, %sub3A_410 : vector<16xf32>
    %mul3A_412 = arith.constant 5.000000e-01 : f32
    %mul3A_413 = vector.broadcast %mul3A_412 : f32 to vector<16xf32>
    %mul3A_414 = arith.mulf %mul3A_413, %max3A_385 : vector<16xf32>
    %mul3A_415 = arith.mulf %mul3A_414, %mul3A_411 : vector<16xf32>
    %mul3A_416 = arith.mulf %mul3A_415, %mul3A_411 : vector<16xf32>
    %sub3A_417 = arith.constant 1.500000e+00 : f32
    %sub3A_418 = vector.broadcast %sub3A_417 : f32 to vector<16xf32>
    %sub3A_419 = arith.subf %sub3A_418, %mul3A_416 : vector<16xf32>
    %mul3A_420 = arith.mulf %mul3A_411, %sub3A_419 : vector<16xf32>
    %mul3A_421 = arith.constant 5.000000e-01 : f32
    %mul3A_422 = vector.broadcast %mul3A_421 : f32 to vector<16xf32>
    %mul3A_423 = arith.mulf %mul3A_422, %max3A_385 : vector<16xf32>
    %mul3A_424 = arith.mulf %mul3A_423, %mul3A_420 : vector<16xf32>
    %mul3A_425 = arith.mulf %mul3A_424, %mul3A_420 : vector<16xf32>
    %sub3A_426 = arith.constant 1.500000e+00 : f32
    %sub3A_427 = vector.broadcast %sub3A_426 : f32 to vector<16xf32>
    %sub3A_428 = arith.subf %sub3A_427, %mul3A_425 : vector<16xf32>
    %mul3A_429 = arith.mulf %mul3A_420, %sub3A_428 : vector<16xf32>
    %mul3A_430 = arith.mulf %add3A_382, %mul3A_429 : vector<16xf32>
    %sub3A_431 = arith.constant 1.000000e+00 : f32
    %sub3A_432 = vector.broadcast %sub3A_431 : f32 to vector<16xf32>
    %sub3A_433 = arith.subf %sub3A_432, %mul3A_430 : vector<16xf32>
    %swap3A_434 = arith.constant 32 : index
    %swap3A_435 = tpu.vector_load %arg23[%swap3A_434] {strides = array<i32>} : memref<128xf32, #tpu.memory_space<vmem>>, vector<16xf32>,
    tpu.vector_store %arg23[%swap3A_434], %sub3A_433 {strides = array<i32>} : memref<128xf32, #tpu.memory_space<vmem>>, vector<16xf32>,
    %get3A_436 = arith.constant 0 : i32
    %get3A_437 = arith.index_cast %get3A_436 : i32 to index
    %get3A_438 = arith.constant 48 : index
    %get3A_439 = tpu.vector_load %arg22[%get3A_437, %get3A_438] {strides = array<i32>} : memref<16x129xf32, #tpu.memory_space<vmem>>, vector<16xf32>,
    %get3A_440 = arith.constant 1 : i32
    %get3A_441 = arith.index_cast %get3A_440 : i32 to index
    %get3A_442 = arith.constant 48 : index
    %get3A_443 = tpu.vector_load %arg22[%get3A_441, %get3A_442] {strides = array<i32>} : memref<16x129xf32, #tpu.memory_space<vmem>>, vector<16xf32>,
    %add3A_444 = arith.addf %get3A_439, %get3A_443 : vector<16xf32>
    %get3A_445 = arith.constant 2 : i32
    %get3A_446 = arith.index_cast %get3A_445 : i32 to index
    %get3A_447 = arith.constant 48 : index
    %get3A_448 = tpu.vector_load %arg22[%get3A_446, %get3A_447] {strides = array<i32>} : memref<16x129xf32, #tpu.memory_space<vmem>>, vector<16xf32>,
    %add3A_449 = arith.addf %add3A_444, %get3A_448 : vector<16xf32>
    %get3A_450 = arith.constant 3 : i32
    %get3A_451 = arith.index_cast %get3A_450 : i32 to index
    %get3A_452 = arith.constant 48 : index
    %get3A_453 = tpu.vector_load %arg22[%get3A_451, %get3A_452] {strides = array<i32>} : memref<16x129xf32, #tpu.memory_space<vmem>>, vector<16xf32>,
    %add3A_454 = arith.addf %add3A_449, %get3A_453 : vector<16xf32>
    %get3A_455 = arith.constant 4 : i32
    %get3A_456 = arith.index_cast %get3A_455 : i32 to index
    %get3A_457 = arith.constant 48 : index
    %get3A_458 = tpu.vector_load %arg22[%get3A_456, %get3A_457] {strides = array<i32>} : memref<16x129xf32, #tpu.memory_space<vmem>>, vector<16xf32>,
    %add3A_459 = arith.addf %add3A_454, %get3A_458 : vector<16xf32>
    %get3A_460 = arith.constant 5 : i32
    %get3A_461 = arith.index_cast %get3A_460 : i32 to index
    %get3A_462 = arith.constant 48 : index
    %get3A_463 = tpu.vector_load %arg22[%get3A_461, %get3A_462] {strides = array<i32>} : memref<16x129xf32, #tpu.memory_space<vmem>>, vector<16xf32>,
    %add3A_464 = arith.addf %add3A_459, %get3A_463 : vector<16xf32>
    %get3A_465 = arith.constant 6 : i32
    %get3A_466 = arith.index_cast %get3A_465 : i32 to index
    %get3A_467 = arith.constant 48 : index
    %get3A_468 = tpu.vector_load %arg22[%get3A_466, %get3A_467] {strides = array<i32>} : memref<16x129xf32, #tpu.memory_space<vmem>>, vector<16xf32>,
    %add3A_469 = arith.addf %add3A_464, %get3A_468 : vector<16xf32>
    %get3A_470 = arith.constant 7 : i32
    %get3A_471 = arith.index_cast %get3A_470 : i32 to index
    %get3A_472 = arith.constant 48 : index
    %get3A_473 = tpu.vector_load %arg22[%get3A_471, %get3A_472] {strides = array<i32>} : memref<16x129xf32, #tpu.memory_space<vmem>>, vector<16xf32>,
    %add3A_474 = arith.addf %add3A_469, %get3A_473 : vector<16xf32>
    %get3A_475 = arith.constant 8 : i32
    %get3A_476 = arith.index_cast %get3A_475 : i32 to index
    %get3A_477 = arith.constant 48 : index
    %get3A_478 = tpu.vector_load %arg22[%get3A_476, %get3A_477] {strides = array<i32>} : memref<16x129xf32, #tpu.memory_space<vmem>>, vector<16xf32>,
    %add3A_479 = arith.addf %add3A_474, %get3A_478 : vector<16xf32>
    %get3A_480 = arith.constant 9 : i32
    %get3A_481 = arith.index_cast %get3A_480 : i32 to index
    %get3A_482 = arith.constant 48 : index
    %get3A_483 = tpu.vector_load %arg22[%get3A_481, %get3A_482] {strides = array<i32>} : memref<16x129xf32, #tpu.memory_space<vmem>>, vector<16xf32>,
    %add3A_484 = arith.addf %add3A_479, %get3A_483 : vector<16xf32>
    %get3A_485 = arith.constant 10 : i32
    %get3A_486 = arith.index_cast %get3A_485 : i32 to index
    %get3A_487 = arith.constant 48 : index
    %get3A_488 = tpu.vector_load %arg22[%get3A_486, %get3A_487] {strides = array<i32>} : memref<16x129xf32, #tpu.memory_space<vmem>>, vector<16xf32>,
    %add3A_489 = arith.addf %add3A_484, %get3A_488 : vector<16xf32>
    %get3A_490 = arith.constant 11 : i32
    %get3A_491 = arith.index_cast %get3A_490 : i32 to index
    %get3A_492 = arith.constant 48 : index
    %get3A_493 = tpu.vector_load %arg22[%get3A_491, %get3A_492] {strides = array<i32>} : memref<16x129xf32, #tpu.memory_space<vmem>>, vector<16xf32>,
    %add3A_494 = arith.addf %add3A_489, %get3A_493 : vector<16xf32>
    %get3A_495 = arith.constant 12 : i32
    %get3A_496 = arith.index_cast %get3A_495 : i32 to index
    %get3A_497 = arith.constant 48 : index
    %get3A_498 = tpu.vector_load %arg22[%get3A_496, %get3A_497] {strides = array<i32>} : memref<16x129xf32, #tpu.memory_space<vmem>>, vector<16xf32>,
    %add3A_499 = arith.addf %add3A_494, %get3A_498 : vector<16xf32>
    %get3A_500 = arith.constant 13 : i32
    %get3A_501 = arith.index_cast %get3A_500 : i32 to index
    %get3A_502 = arith.constant 48 : index
    %get3A_503 = tpu.vector_load %arg22[%get3A_501, %get3A_502] {strides = array<i32>} : memref<16x129xf32, #tpu.memory_space<vmem>>, vector<16xf32>,
    %add3A_504 = arith.addf %add3A_499, %get3A_503 : vector<16xf32>
    %get3A_505 = arith.constant 14 : i32
    %get3A_506 = arith.index_cast %get3A_505 : i32 to index
    %get3A_507 = arith.constant 48 : index
    %get3A_508 = tpu.vector_load %arg22[%get3A_506, %get3A_507] {strides = array<i32>} : memref<16x129xf32, #tpu.memory_space<vmem>>, vector<16xf32>,
    %add3A_509 = arith.addf %add3A_504, %get3A_508 : vector<16xf32>
    %get3A_510 = arith.constant 15 : i32
    %get3A_511 = arith.index_cast %get3A_510 : i32 to index
    %get3A_512 = arith.constant 48 : index
    %get3A_513 = tpu.vector_load %arg22[%get3A_511, %get3A_512] {strides = array<i32>} : memref<16x129xf32, #tpu.memory_space<vmem>>, vector<16xf32>,
    %add3A_514 = arith.addf %add3A_509, %get3A_513 : vector<16xf32>
    %max3A_515 = arith.constant 1.000000e-30 : f32
    %max3A_516 = vector.broadcast %max3A_515 : f32 to vector<16xf32>
    %max3A_517 = arith.maximumf %add3A_514, %max3A_516 : vector<16xf32>
    %bitcast_convert_type3A_518 = tpu.bitcast %max3A_517 : vector<16xf32> -> vector<16xi32>
    %shift_right_arithmetic3A_519 = arith.constant 1 : i32
    %shift_right_arithmetic3A_520 = vector.broadcast %shift_right_arithmetic3A_519 : i32 to vector<16xi32>
    %shift_right_arithmetic3A_521 = arith.shrsi %bitcast_convert_type3A_518, %shift_right_arithmetic3A_520 : vector<16xi32>
    %sub3A_522 = arith.constant 1597463007 : i32
    %sub3A_523 = vector.broadcast %sub3A_522 : i32 to vector<16xi32>
    %sub3A_524 = arith.subi %sub3A_523, %shift_right_arithmetic3A_521 : vector<16xi32>
    %bitcast_convert_type3A_525 = tpu.bitcast %sub3A_524 : vector<16xi32> -> vector<16xf32>
    %mul3A_526 = arith.constant 5.000000e-01 : f32
    %mul3A_527 = vector.broadcast %mul3A_526 : f32 to vector<16xf32>
    %mul3A_528 = arith.mulf %mul3A_527, %max3A_517 : vector<16xf32>
    %mul3A_529 = arith.mulf %mul3A_528, %bitcast_convert_type3A_525 : vector<16xf32>
    %mul3A_530 = arith.mulf %mul3A_529, %bitcast_convert_type3A_525 : vector<16xf32>
    %sub3A_531 = arith.constant 1.500000e+00 : f32
    %sub3A_532 = vector.broadcast %sub3A_531 : f32 to vector<16xf32>
    %sub3A_533 = arith.subf %sub3A_532, %mul3A_530 : vector<16xf32>
    %mul3A_534 = arith.mulf %bitcast_convert_type3A_525, %sub3A_533 : vector<16xf32>
    %mul3A_535 = arith.constant 5.000000e-01 : f32
    %mul3A_536 = vector.broadcast %mul3A_535 : f32 to vector<16xf32>
    %mul3A_537 = arith.mulf %mul3A_536, %max3A_517 : vector<16xf32>
    %mul3A_538 = arith.mulf %mul3A_537, %mul3A_534 : vector<16xf32>
    %mul3A_539 = arith.mulf %mul3A_538, %mul3A_534 : vector<16xf32>
    %sub3A_540 = arith.constant 1.500000e+00 : f32
    %sub3A_541 = vector.broadcast %sub3A_540 : f32 to vector<16xf32>
    %sub3A_542 = arith.subf %sub3A_541, %mul3A_539 : vector<16xf32>
    %mul3A_543 = arith.mulf %mul3A_534, %sub3A_542 : vector<16xf32>
    %mul3A_544 = arith.constant 5.000000e-01 : f32
    %mul3A_545 = vector.broadcast %mul3A_544 : f32 to vector<16xf32>
    %mul3A_546 = arith.mulf %mul3A_545, %max3A_517 : vector<16xf32>
    %mul3A_547 = arith.mulf %mul3A_546, %mul3A_543 : vector<16xf32>
    %mul3A_548 = arith.mulf %mul3A_547, %mul3A_543 : vector<16xf32>
    %sub3A_549 = arith.constant 1.500000e+00 : f32
    %sub3A_550 = vector.broadcast %sub3A_549 : f32 to vector<16xf32>
    %sub3A_551 = arith.subf %sub3A_550, %mul3A_548 : vector<16xf32>
    %mul3A_552 = arith.mulf %mul3A_543, %sub3A_551 : vector<16xf32>
    %mul3A_553 = arith.constant 5.000000e-01 : f32
    %mul3A_554 = vector.broadcast %mul3A_553 : f32 to vector<16xf32>
    %mul3A_555 = arith.mulf %mul3A_554, %max3A_517 : vector<16xf32>
    %mul3A_556 = arith.mulf %mul3A_555, %mul3A_552 : vector<16xf32>
    %mul3A_557 = arith.mulf %mul3A_556, %mul3A_552 : vector<16xf32>
    %sub3A_558 = arith.constant 1.500000e+00 : f32
    %sub3A_559 = vector.broadcast %sub3A_558 : f32 to vector<16xf32>
    %sub3A_560 = arith.subf %sub3A_559, %mul3A_557 : vector<16xf32>
    %mul3A_561 = arith.mulf %mul3A_552, %sub3A_560 : vector<16xf32>
    %mul3A_562 = arith.mulf %add3A_514, %mul3A_561 : vector<16xf32>
    %sub3A_563 = arith.constant 1.000000e+00 : f32
    %sub3A_564 = vector.broadcast %sub3A_563 : f32 to vector<16xf32>
    %sub3A_565 = arith.subf %sub3A_564, %mul3A_562 : vector<16xf32>
    %swap3A_566 = arith.constant 48 : index
    %swap3A_567 = tpu.vector_load %arg23[%swap3A_566] {strides = array<i32>} : memref<128xf32, #tpu.memory_space<vmem>>, vector<16xf32>,
    tpu.vector_store %arg23[%swap3A_566], %sub3A_565 {strides = array<i32>} : memref<128xf32, #tpu.memory_space<vmem>>, vector<16xf32>,
    %get3A_568 = arith.constant 0 : i32
    %get3A_569 = arith.index_cast %get3A_568 : i32 to index
    %get3A_570 = arith.constant 64 : index
    %get3A_571 = tpu.vector_load %arg22[%get3A_569, %get3A_570] {strides = array<i32>} : memref<16x129xf32, #tpu.memory_space<vmem>>, vector<16xf32>,
    %get3A_572 = arith.constant 1 : i32
    %get3A_573 = arith.index_cast %get3A_572 : i32 to index
    %get3A_574 = arith.constant 64 : index
    %get3A_575 = tpu.vector_load %arg22[%get3A_573, %get3A_574] {strides = array<i32>} : memref<16x129xf32, #tpu.memory_space<vmem>>, vector<16xf32>,
    %add3A_576 = arith.addf %get3A_571, %get3A_575 : vector<16xf32>
    %get3A_577 = arith.constant 2 : i32
    %get3A_578 = arith.index_cast %get3A_577 : i32 to index
    %get3A_579 = arith.constant 64 : index
    %get3A_580 = tpu.vector_load %arg22[%get3A_578, %get3A_579] {strides = array<i32>} : memref<16x129xf32, #tpu.memory_space<vmem>>, vector<16xf32>,
    %add3A_581 = arith.addf %add3A_576, %get3A_580 : vector<16xf32>
    %get3A_582 = arith.constant 3 : i32
    %get3A_583 = arith.index_cast %get3A_582 : i32 to index
    %get3A_584 = arith.constant 64 : index
    %get3A_585 = tpu.vector_load %arg22[%get3A_583, %get3A_584] {strides = array<i32>} : memref<16x129xf32, #tpu.memory_space<vmem>>, vector<16xf32>,
    %add3A_586 = arith.addf %add3A_581, %get3A_585 : vector<16xf32>
    %get3A_587 = arith.constant 4 : i32
    %get3A_588 = arith.index_cast %get3A_587 : i32 to index
    %get3A_589 = arith.constant 64 : index
    %get3A_590 = tpu.vector_load %arg22[%get3A_588, %get3A_589] {strides = array<i32>} : memref<16x129xf32, #tpu.memory_space<vmem>>, vector<16xf32>,
    %add3A_591 = arith.addf %add3A_586, %get3A_590 : vector<16xf32>
    %get3A_592 = arith.constant 5 : i32
    %get3A_593 = arith.index_cast %get3A_592 : i32 to index
    %get3A_594 = arith.constant 64 : index
    %get3A_595 = tpu.vector_load %arg22[%get3A_593, %get3A_594] {strides = array<i32>} : memref<16x129xf32, #tpu.memory_space<vmem>>, vector<16xf32>,
    %add3A_596 = arith.addf %add3A_591, %get3A_595 : vector<16xf32>
    %get3A_597 = arith.constant 6 : i32
    %get3A_598 = arith.index_cast %get3A_597 : i32 to index
    %get3A_599 = arith.constant 64 : index
    %get3A_600 = tpu.vector_load %arg22[%get3A_598, %get3A_599] {strides = array<i32>} : memref<16x129xf32, #tpu.memory_space<vmem>>, vector<16xf32>,
    %add3A_601 = arith.addf %add3A_596, %get3A_600 : vector<16xf32>
    %get3A_602 = arith.constant 7 : i32
    %get3A_603 = arith.index_cast %get3A_602 : i32 to index
    %get3A_604 = arith.constant 64 : index
    %get3A_605 = tpu.vector_load %arg22[%get3A_603, %get3A_604] {strides = array<i32>} : memref<16x129xf32, #tpu.memory_space<vmem>>, vector<16xf32>,
    %add3A_606 = arith.addf %add3A_601, %get3A_605 : vector<16xf32>
    %get3A_607 = arith.constant 8 : i32
    %get3A_608 = arith.index_cast %get3A_607 : i32 to index
    %get3A_609 = arith.constant 64 : index
    %get3A_610 = tpu.vector_load %arg22[%get3A_608, %get3A_609] {strides = array<i32>} : memref<16x129xf32, #tpu.memory_space<vmem>>, vector<16xf32>,
    %add3A_611 = arith.addf %add3A_606, %get3A_610 : vector<16xf32>
    %get3A_612 = arith.constant 9 : i32
    %get3A_613 = arith.index_cast %get3A_612 : i32 to index
    %get3A_614 = arith.constant 64 : index
    %get3A_615 = tpu.vector_load %arg22[%get3A_613, %get3A_614] {strides = array<i32>} : memref<16x129xf32, #tpu.memory_space<vmem>>, vector<16xf32>,
    %add3A_616 = arith.addf %add3A_611, %get3A_615 : vector<16xf32>
    %get3A_617 = arith.constant 10 : i32
    %get3A_618 = arith.index_cast %get3A_617 : i32 to index
    %get3A_619 = arith.constant 64 : index
    %get3A_620 = tpu.vector_load %arg22[%get3A_618, %get3A_619] {strides = array<i32>} : memref<16x129xf32, #tpu.memory_space<vmem>>, vector<16xf32>,
    %add3A_621 = arith.addf %add3A_616, %get3A_620 : vector<16xf32>
    %get3A_622 = arith.constant 11 : i32
    %get3A_623 = arith.index_cast %get3A_622 : i32 to index
    %get3A_624 = arith.constant 64 : index
    %get3A_625 = tpu.vector_load %arg22[%get3A_623, %get3A_624] {strides = array<i32>} : memref<16x129xf32, #tpu.memory_space<vmem>>, vector<16xf32>,
    %add3A_626 = arith.addf %add3A_621, %get3A_625 : vector<16xf32>
    %get3A_627 = arith.constant 12 : i32
    %get3A_628 = arith.index_cast %get3A_627 : i32 to index
    %get3A_629 = arith.constant 64 : index
    %get3A_630 = tpu.vector_load %arg22[%get3A_628, %get3A_629] {strides = array<i32>} : memref<16x129xf32, #tpu.memory_space<vmem>>, vector<16xf32>,
    %add3A_631 = arith.addf %add3A_626, %get3A_630 : vector<16xf32>
    %get3A_632 = arith.constant 13 : i32
    %get3A_633 = arith.index_cast %get3A_632 : i32 to index
    %get3A_634 = arith.constant 64 : index
    %get3A_635 = tpu.vector_load %arg22[%get3A_633, %get3A_634] {strides = array<i32>} : memref<16x129xf32, #tpu.memory_space<vmem>>, vector<16xf32>,
    %add3A_636 = arith.addf %add3A_631, %get3A_635 : vector<16xf32>
    %get3A_637 = arith.constant 14 : i32
    %get3A_638 = arith.index_cast %get3A_637 : i32 to index
    %get3A_639 = arith.constant 64 : index
    %get3A_640 = tpu.vector_load %arg22[%get3A_638, %get3A_639] {strides = array<i32>} : memref<16x129xf32, #tpu.memory_space<vmem>>, vector<16xf32>,
    %add3A_641 = arith.addf %add3A_636, %get3A_640 : vector<16xf32>
    %get3A_642 = arith.constant 15 : i32
    %get3A_643 = arith.index_cast %get3A_642 : i32 to index
    %get3A_644 = arith.constant 64 : index
    %get3A_645 = tpu.vector_load %arg22[%get3A_643, %get3A_644] {strides = array<i32>} : memref<16x129xf32, #tpu.memory_space<vmem>>, vector<16xf32>,
    %add3A_646 = arith.addf %add3A_641, %get3A_645 : vector<16xf32>
    %max3A_647 = arith.constant 1.000000e-30 : f32
    %max3A_648 = vector.broadcast %max3A_647 : f32 to vector<16xf32>
    %max3A_649 = arith.maximumf %add3A_646, %max3A_648 : vector<16xf32>
    %bitcast_convert_type3A_650 = tpu.bitcast %max3A_649 : vector<16xf32> -> vector<16xi32>
    %shift_right_arithmetic3A_651 = arith.constant 1 : i32
    %shift_right_arithmetic3A_652 = vector.broadcast %shift_right_arithmetic3A_651 : i32 to vector<16xi32>
    %shift_right_arithmetic3A_653 = arith.shrsi %bitcast_convert_type3A_650, %shift_right_arithmetic3A_652 : vector<16xi32>
    %sub3A_654 = arith.constant 1597463007 : i32
    %sub3A_655 = vector.broadcast %sub3A_654 : i32 to vector<16xi32>
    %sub3A_656 = arith.subi %sub3A_655, %shift_right_arithmetic3A_653 : vector<16xi32>
    %bitcast_convert_type3A_657 = tpu.bitcast %sub3A_656 : vector<16xi32> -> vector<16xf32>
    %mul3A_658 = arith.constant 5.000000e-01 : f32
    %mul3A_659 = vector.broadcast %mul3A_658 : f32 to vector<16xf32>
    %mul3A_660 = arith.mulf %mul3A_659, %max3A_649 : vector<16xf32>
    %mul3A_661 = arith.mulf %mul3A_660, %bitcast_convert_type3A_657 : vector<16xf32>
    %mul3A_662 = arith.mulf %mul3A_661, %bitcast_convert_type3A_657 : vector<16xf32>
    %sub3A_663 = arith.constant 1.500000e+00 : f32
    %sub3A_664 = vector.broadcast %sub3A_663 : f32 to vector<16xf32>
    %sub3A_665 = arith.subf %sub3A_664, %mul3A_662 : vector<16xf32>
    %mul3A_666 = arith.mulf %bitcast_convert_type3A_657, %sub3A_665 : vector<16xf32>
    %mul3A_667 = arith.constant 5.000000e-01 : f32
    %mul3A_668 = vector.broadcast %mul3A_667 : f32 to vector<16xf32>
    %mul3A_669 = arith.mulf %mul3A_668, %max3A_649 : vector<16xf32>
    %mul3A_670 = arith.mulf %mul3A_669, %mul3A_666 : vector<16xf32>
    %mul3A_671 = arith.mulf %mul3A_670, %mul3A_666 : vector<16xf32>
    %sub3A_672 = arith.constant 1.500000e+00 : f32
    %sub3A_673 = vector.broadcast %sub3A_672 : f32 to vector<16xf32>
    %sub3A_674 = arith.subf %sub3A_673, %mul3A_671 : vector<16xf32>
    %mul3A_675 = arith.mulf %mul3A_666, %sub3A_674 : vector<16xf32>
    %mul3A_676 = arith.constant 5.000000e-01 : f32
    %mul3A_677 = vector.broadcast %mul3A_676 : f32 to vector<16xf32>
    %mul3A_678 = arith.mulf %mul3A_677, %max3A_649 : vector<16xf32>
    %mul3A_679 = arith.mulf %mul3A_678, %mul3A_675 : vector<16xf32>
    %mul3A_680 = arith.mulf %mul3A_679, %mul3A_675 : vector<16xf32>
    %sub3A_681 = arith.constant 1.500000e+00 : f32
    %sub3A_682 = vector.broadcast %sub3A_681 : f32 to vector<16xf32>
    %sub3A_683 = arith.subf %sub3A_682, %mul3A_680 : vector<16xf32>
    %mul3A_684 = arith.mulf %mul3A_675, %sub3A_683 : vector<16xf32>
    %mul3A_685 = arith.constant 5.000000e-01 : f32
    %mul3A_686 = vector.broadcast %mul3A_685 : f32 to vector<16xf32>
    %mul3A_687 = arith.mulf %mul3A_686, %max3A_649 : vector<16xf32>
    %mul3A_688 = arith.mulf %mul3A_687, %mul3A_684 : vector<16xf32>
    %mul3A_689 = arith.mulf %mul3A_688, %mul3A_684 : vector<16xf32>
    %sub3A_690 = arith.constant 1.500000e+00 : f32
    %sub3A_691 = vector.broadcast %sub3A_690 : f32 to vector<16xf32>
    %sub3A_692 = arith.subf %sub3A_691, %mul3A_689 : vector<16xf32>
    %mul3A_693 = arith.mulf %mul3A_684, %sub3A_692 : vector<16xf32>
    %mul3A_694 = arith.mulf %add3A_646, %mul3A_693 : vector<16xf32>
    %sub3A_695 = arith.constant 1.000000e+00 : f32
    %sub3A_696 = vector.broadcast %sub3A_695 : f32 to vector<16xf32>
    %sub3A_697 = arith.subf %sub3A_696, %mul3A_694 : vector<16xf32>
    %swap3A_698 = arith.constant 64 : index
    %swap3A_699 = tpu.vector_load %arg23[%swap3A_698] {strides = array<i32>} : memref<128xf32, #tpu.memory_space<vmem>>, vector<16xf32>,
    tpu.vector_store %arg23[%swap3A_698], %sub3A_697 {strides = array<i32>} : memref<128xf32, #tpu.memory_space<vmem>>, vector<16xf32>,
    %get3A_700 = arith.constant 0 : i32
    %get3A_701 = arith.index_cast %get3A_700 : i32 to index
    %get3A_702 = arith.constant 80 : index
    %get3A_703 = tpu.vector_load %arg22[%get3A_701, %get3A_702] {strides = array<i32>} : memref<16x129xf32, #tpu.memory_space<vmem>>, vector<16xf32>,
    %get3A_704 = arith.constant 1 : i32
    %get3A_705 = arith.index_cast %get3A_704 : i32 to index
    %get3A_706 = arith.constant 80 : index
    %get3A_707 = tpu.vector_load %arg22[%get3A_705, %get3A_706] {strides = array<i32>} : memref<16x129xf32, #tpu.memory_space<vmem>>, vector<16xf32>,
    %add3A_708 = arith.addf %get3A_703, %get3A_707 : vector<16xf32>
    %get3A_709 = arith.constant 2 : i32
    %get3A_710 = arith.index_cast %get3A_709 : i32 to index
    %get3A_711 = arith.constant 80 : index
    %get3A_712 = tpu.vector_load %arg22[%get3A_710, %get3A_711] {strides = array<i32>} : memref<16x129xf32, #tpu.memory_space<vmem>>, vector<16xf32>,
    %add3A_713 = arith.addf %add3A_708, %get3A_712 : vector<16xf32>
    %get3A_714 = arith.constant 3 : i32
    %get3A_715 = arith.index_cast %get3A_714 : i32 to index
    %get3A_716 = arith.constant 80 : index
    %get3A_717 = tpu.vector_load %arg22[%get3A_715, %get3A_716] {strides = array<i32>} : memref<16x129xf32, #tpu.memory_space<vmem>>, vector<16xf32>,
    %add3A_718 = arith.addf %add3A_713, %get3A_717 : vector<16xf32>
    %get3A_719 = arith.constant 4 : i32
    %get3A_720 = arith.index_cast %get3A_719 : i32 to index
    %get3A_721 = arith.constant 80 : index
    %get3A_722 = tpu.vector_load %arg22[%get3A_720, %get3A_721] {strides = array<i32>} : memref<16x129xf32, #tpu.memory_space<vmem>>, vector<16xf32>,
    %add3A_723 = arith.addf %add3A_718, %get3A_722 : vector<16xf32>
    %get3A_724 = arith.constant 5 : i32
    %get3A_725 = arith.index_cast %get3A_724 : i32 to index
    %get3A_726 = arith.constant 80 : index
    %get3A_727 = tpu.vector_load %arg22[%get3A_725, %get3A_726] {strides = array<i32>} : memref<16x129xf32, #tpu.memory_space<vmem>>, vector<16xf32>,
    %add3A_728 = arith.addf %add3A_723, %get3A_727 : vector<16xf32>
    %get3A_729 = arith.constant 6 : i32
    %get3A_730 = arith.index_cast %get3A_729 : i32 to index
    %get3A_731 = arith.constant 80 : index
    %get3A_732 = tpu.vector_load %arg22[%get3A_730, %get3A_731] {strides = array<i32>} : memref<16x129xf32, #tpu.memory_space<vmem>>, vector<16xf32>,
    %add3A_733 = arith.addf %add3A_728, %get3A_732 : vector<16xf32>
    %get3A_734 = arith.constant 7 : i32
    %get3A_735 = arith.index_cast %get3A_734 : i32 to index
    %get3A_736 = arith.constant 80 : index
    %get3A_737 = tpu.vector_load %arg22[%get3A_735, %get3A_736] {strides = array<i32>} : memref<16x129xf32, #tpu.memory_space<vmem>>, vector<16xf32>,
    %add3A_738 = arith.addf %add3A_733, %get3A_737 : vector<16xf32>
    %get3A_739 = arith.constant 8 : i32
    %get3A_740 = arith.index_cast %get3A_739 : i32 to index
    %get3A_741 = arith.constant 80 : index
    %get3A_742 = tpu.vector_load %arg22[%get3A_740, %get3A_741] {strides = array<i32>} : memref<16x129xf32, #tpu.memory_space<vmem>>, vector<16xf32>,
    %add3A_743 = arith.addf %add3A_738, %get3A_742 : vector<16xf32>
    %get3A_744 = arith.constant 9 : i32
    %get3A_745 = arith.index_cast %get3A_744 : i32 to index
    %get3A_746 = arith.constant 80 : index
    %get3A_747 = tpu.vector_load %arg22[%get3A_745, %get3A_746] {strides = array<i32>} : memref<16x129xf32, #tpu.memory_space<vmem>>, vector<16xf32>,
    %add3A_748 = arith.addf %add3A_743, %get3A_747 : vector<16xf32>
    %get3A_749 = arith.constant 10 : i32
    %get3A_750 = arith.index_cast %get3A_749 : i32 to index
    %get3A_751 = arith.constant 80 : index
    %get3A_752 = tpu.vector_load %arg22[%get3A_750, %get3A_751] {strides = array<i32>} : memref<16x129xf32, #tpu.memory_space<vmem>>, vector<16xf32>,
    %add3A_753 = arith.addf %add3A_748, %get3A_752 : vector<16xf32>
    %get3A_754 = arith.constant 11 : i32
    %get3A_755 = arith.index_cast %get3A_754 : i32 to index
    %get3A_756 = arith.constant 80 : index
    %get3A_757 = tpu.vector_load %arg22[%get3A_755, %get3A_756] {strides = array<i32>} : memref<16x129xf32, #tpu.memory_space<vmem>>, vector<16xf32>,
    %add3A_758 = arith.addf %add3A_753, %get3A_757 : vector<16xf32>
    %get3A_759 = arith.constant 12 : i32
    %get3A_760 = arith.index_cast %get3A_759 : i32 to index
    %get3A_761 = arith.constant 80 : index
    %get3A_762 = tpu.vector_load %arg22[%get3A_760, %get3A_761] {strides = array<i32>} : memref<16x129xf32, #tpu.memory_space<vmem>>, vector<16xf32>,
    %add3A_763 = arith.addf %add3A_758, %get3A_762 : vector<16xf32>
    %get3A_764 = arith.constant 13 : i32
    %get3A_765 = arith.index_cast %get3A_764 : i32 to index
    %get3A_766 = arith.constant 80 : index
    %get3A_767 = tpu.vector_load %arg22[%get3A_765, %get3A_766] {strides = array<i32>} : memref<16x129xf32, #tpu.memory_space<vmem>>, vector<16xf32>,
    %add3A_768 = arith.addf %add3A_763, %get3A_767 : vector<16xf32>
    %get3A_769 = arith.constant 14 : i32
    %get3A_770 = arith.index_cast %get3A_769 : i32 to index
    %get3A_771 = arith.constant 80 : index
    %get3A_772 = tpu.vector_load %arg22[%get3A_770, %get3A_771] {strides = array<i32>} : memref<16x129xf32, #tpu.memory_space<vmem>>, vector<16xf32>,
    %add3A_773 = arith.addf %add3A_768, %get3A_772 : vector<16xf32>
    %get3A_774 = arith.constant 15 : i32
    %get3A_775 = arith.index_cast %get3A_774 : i32 to index
    %get3A_776 = arith.constant 80 : index
    %get3A_777 = tpu.vector_load %arg22[%get3A_775, %get3A_776] {strides = array<i32>} : memref<16x129xf32, #tpu.memory_space<vmem>>, vector<16xf32>,
    %add3A_778 = arith.addf %add3A_773, %get3A_777 : vector<16xf32>
    %max3A_779 = arith.constant 1.000000e-30 : f32
    %max3A_780 = vector.broadcast %max3A_779 : f32 to vector<16xf32>
    %max3A_781 = arith.maximumf %add3A_778, %max3A_780 : vector<16xf32>
    %bitcast_convert_type3A_782 = tpu.bitcast %max3A_781 : vector<16xf32> -> vector<16xi32>
    %shift_right_arithmetic3A_783 = arith.constant 1 : i32
    %shift_right_arithmetic3A_784 = vector.broadcast %shift_right_arithmetic3A_783 : i32 to vector<16xi32>
    %shift_right_arithmetic3A_785 = arith.shrsi %bitcast_convert_type3A_782, %shift_right_arithmetic3A_784 : vector<16xi32>
    %sub3A_786 = arith.constant 1597463007 : i32
    %sub3A_787 = vector.broadcast %sub3A_786 : i32 to vector<16xi32>
    %sub3A_788 = arith.subi %sub3A_787, %shift_right_arithmetic3A_785 : vector<16xi32>
    %bitcast_convert_type3A_789 = tpu.bitcast %sub3A_788 : vector<16xi32> -> vector<16xf32>
    %mul3A_790 = arith.constant 5.000000e-01 : f32
    %mul3A_791 = vector.broadcast %mul3A_790 : f32 to vector<16xf32>
    %mul3A_792 = arith.mulf %mul3A_791, %max3A_781 : vector<16xf32>
    %mul3A_793 = arith.mulf %mul3A_792, %bitcast_convert_type3A_789 : vector<16xf32>
    %mul3A_794 = arith.mulf %mul3A_793, %bitcast_convert_type3A_789 : vector<16xf32>
    %sub3A_795 = arith.constant 1.500000e+00 : f32
    %sub3A_796 = vector.broadcast %sub3A_795 : f32 to vector<16xf32>
    %sub3A_797 = arith.subf %sub3A_796, %mul3A_794 : vector<16xf32>
    %mul3A_798 = arith.mulf %bitcast_convert_type3A_789, %sub3A_797 : vector<16xf32>
    %mul3A_799 = arith.constant 5.000000e-01 : f32
    %mul3A_800 = vector.broadcast %mul3A_799 : f32 to vector<16xf32>
    %mul3A_801 = arith.mulf %mul3A_800, %max3A_781 : vector<16xf32>
    %mul3A_802 = arith.mulf %mul3A_801, %mul3A_798 : vector<16xf32>
    %mul3A_803 = arith.mulf %mul3A_802, %mul3A_798 : vector<16xf32>
    %sub3A_804 = arith.constant 1.500000e+00 : f32
    %sub3A_805 = vector.broadcast %sub3A_804 : f32 to vector<16xf32>
    %sub3A_806 = arith.subf %sub3A_805, %mul3A_803 : vector<16xf32>
    %mul3A_807 = arith.mulf %mul3A_798, %sub3A_806 : vector<16xf32>
    %mul3A_808 = arith.constant 5.000000e-01 : f32
    %mul3A_809 = vector.broadcast %mul3A_808 : f32 to vector<16xf32>
    %mul3A_810 = arith.mulf %mul3A_809, %max3A_781 : vector<16xf32>
    %mul3A_811 = arith.mulf %mul3A_810, %mul3A_807 : vector<16xf32>
    %mul3A_812 = arith.mulf %mul3A_811, %mul3A_807 : vector<16xf32>
    %sub3A_813 = arith.constant 1.500000e+00 : f32
    %sub3A_814 = vector.broadcast %sub3A_813 : f32 to vector<16xf32>
    %sub3A_815 = arith.subf %sub3A_814, %mul3A_812 : vector<16xf32>
    %mul3A_816 = arith.mulf %mul3A_807, %sub3A_815 : vector<16xf32>
    %mul3A_817 = arith.constant 5.000000e-01 : f32
    %mul3A_818 = vector.broadcast %mul3A_817 : f32 to vector<16xf32>
    %mul3A_819 = arith.mulf %mul3A_818, %max3A_781 : vector<16xf32>
    %mul3A_820 = arith.mulf %mul3A_819, %mul3A_816 : vector<16xf32>
    %mul3A_821 = arith.mulf %mul3A_820, %mul3A_816 : vector<16xf32>
    %sub3A_822 = arith.constant 1.500000e+00 : f32
    %sub3A_823 = vector.broadcast %sub3A_822 : f32 to vector<16xf32>
    %sub3A_824 = arith.subf %sub3A_823, %mul3A_821 : vector<16xf32>
    %mul3A_825 = arith.mulf %mul3A_816, %sub3A_824 : vector<16xf32>
    %mul3A_826 = arith.mulf %add3A_778, %mul3A_825 : vector<16xf32>
    %sub3A_827 = arith.constant 1.000000e+00 : f32
    %sub3A_828 = vector.broadcast %sub3A_827 : f32 to vector<16xf32>
    %sub3A_829 = arith.subf %sub3A_828, %mul3A_826 : vector<16xf32>
    %swap3A_830 = arith.constant 80 : index
    %swap3A_831 = tpu.vector_load %arg23[%swap3A_830] {strides = array<i32>} : memref<128xf32, #tpu.memory_space<vmem>>, vector<16xf32>,
    tpu.vector_store %arg23[%swap3A_830], %sub3A_829 {strides = array<i32>} : memref<128xf32, #tpu.memory_space<vmem>>, vector<16xf32>,
    %get3A_832 = arith.constant 0 : i32
    %get3A_833 = arith.index_cast %get3A_832 : i32 to index
    %get3A_834 = arith.constant 96 : index
    %get3A_835 = tpu.vector_load %arg22[%get3A_833, %get3A_834] {strides = array<i32>} : memref<16x129xf32, #tpu.memory_space<vmem>>, vector<16xf32>,
    %get3A_836 = arith.constant 1 : i32
    %get3A_837 = arith.index_cast %get3A_836 : i32 to index
    %get3A_838 = arith.constant 96 : index
    %get3A_839 = tpu.vector_load %arg22[%get3A_837, %get3A_838] {strides = array<i32>} : memref<16x129xf32, #tpu.memory_space<vmem>>, vector<16xf32>,
    %add3A_840 = arith.addf %get3A_835, %get3A_839 : vector<16xf32>
    %get3A_841 = arith.constant 2 : i32
    %get3A_842 = arith.index_cast %get3A_841 : i32 to index
    %get3A_843 = arith.constant 96 : index
    %get3A_844 = tpu.vector_load %arg22[%get3A_842, %get3A_843] {strides = array<i32>} : memref<16x129xf32, #tpu.memory_space<vmem>>, vector<16xf32>,
    %add3A_845 = arith.addf %add3A_840, %get3A_844 : vector<16xf32>
    %get3A_846 = arith.constant 3 : i32
    %get3A_847 = arith.index_cast %get3A_846 : i32 to index
    %get3A_848 = arith.constant 96 : index
    %get3A_849 = tpu.vector_load %arg22[%get3A_847, %get3A_848] {strides = array<i32>} : memref<16x129xf32, #tpu.memory_space<vmem>>, vector<16xf32>,
    %add3A_850 = arith.addf %add3A_845, %get3A_849 : vector<16xf32>
    %get3A_851 = arith.constant 4 : i32
    %get3A_852 = arith.index_cast %get3A_851 : i32 to index
    %get3A_853 = arith.constant 96 : index
    %get3A_854 = tpu.vector_load %arg22[%get3A_852, %get3A_853] {strides = array<i32>} : memref<16x129xf32, #tpu.memory_space<vmem>>, vector<16xf32>,
    %add3A_855 = arith.addf %add3A_850, %get3A_854 : vector<16xf32>
    %get3A_856 = arith.constant 5 : i32
    %get3A_857 = arith.index_cast %get3A_856 : i32 to index
    %get3A_858 = arith.constant 96 : index
    %get3A_859 = tpu.vector_load %arg22[%get3A_857, %get3A_858] {strides = array<i32>} : memref<16x129xf32, #tpu.memory_space<vmem>>, vector<16xf32>,
    %add3A_860 = arith.addf %add3A_855, %get3A_859 : vector<16xf32>
    %get3A_861 = arith.constant 6 : i32
    %get3A_862 = arith.index_cast %get3A_861 : i32 to index
    %get3A_863 = arith.constant 96 : index
    %get3A_864 = tpu.vector_load %arg22[%get3A_862, %get3A_863] {strides = array<i32>} : memref<16x129xf32, #tpu.memory_space<vmem>>, vector<16xf32>,
    %add3A_865 = arith.addf %add3A_860, %get3A_864 : vector<16xf32>
    %get3A_866 = arith.constant 7 : i32
    %get3A_867 = arith.index_cast %get3A_866 : i32 to index
    %get3A_868 = arith.constant 96 : index
    %get3A_869 = tpu.vector_load %arg22[%get3A_867, %get3A_868] {strides = array<i32>} : memref<16x129xf32, #tpu.memory_space<vmem>>, vector<16xf32>,
    %add3A_870 = arith.addf %add3A_865, %get3A_869 : vector<16xf32>
    %get3A_871 = arith.constant 8 : i32
    %get3A_872 = arith.index_cast %get3A_871 : i32 to index
    %get3A_873 = arith.constant 96 : index
    %get3A_874 = tpu.vector_load %arg22[%get3A_872, %get3A_873] {strides = array<i32>} : memref<16x129xf32, #tpu.memory_space<vmem>>, vector<16xf32>,
    %add3A_875 = arith.addf %add3A_870, %get3A_874 : vector<16xf32>
    %get3A_876 = arith.constant 9 : i32
    %get3A_877 = arith.index_cast %get3A_876 : i32 to index
    %get3A_878 = arith.constant 96 : index
    %get3A_879 = tpu.vector_load %arg22[%get3A_877, %get3A_878] {strides = array<i32>} : memref<16x129xf32, #tpu.memory_space<vmem>>, vector<16xf32>,
    %add3A_880 = arith.addf %add3A_875, %get3A_879 : vector<16xf32>
    %get3A_881 = arith.constant 10 : i32
    %get3A_882 = arith.index_cast %get3A_881 : i32 to index
    %get3A_883 = arith.constant 96 : index
    %get3A_884 = tpu.vector_load %arg22[%get3A_882, %get3A_883] {strides = array<i32>} : memref<16x129xf32, #tpu.memory_space<vmem>>, vector<16xf32>,
    %add3A_885 = arith.addf %add3A_880, %get3A_884 : vector<16xf32>
    %get3A_886 = arith.constant 11 : i32
    %get3A_887 = arith.index_cast %get3A_886 : i32 to index
    %get3A_888 = arith.constant 96 : index
    %get3A_889 = tpu.vector_load %arg22[%get3A_887, %get3A_888] {strides = array<i32>} : memref<16x129xf32, #tpu.memory_space<vmem>>, vector<16xf32>,
    %add3A_890 = arith.addf %add3A_885, %get3A_889 : vector<16xf32>
    %get3A_891 = arith.constant 12 : i32
    %get3A_892 = arith.index_cast %get3A_891 : i32 to index
    %get3A_893 = arith.constant 96 : index
    %get3A_894 = tpu.vector_load %arg22[%get3A_892, %get3A_893] {strides = array<i32>} : memref<16x129xf32, #tpu.memory_space<vmem>>, vector<16xf32>,
    %add3A_895 = arith.addf %add3A_890, %get3A_894 : vector<16xf32>
    %get3A_896 = arith.constant 13 : i32
    %get3A_897 = arith.index_cast %get3A_896 : i32 to index
    %get3A_898 = arith.constant 96 : index
    %get3A_899 = tpu.vector_load %arg22[%get3A_897, %get3A_898] {strides = array<i32>} : memref<16x129xf32, #tpu.memory_space<vmem>>, vector<16xf32>,
    %add3A_900 = arith.addf %add3A_895, %get3A_899 : vector<16xf32>
    %get3A_901 = arith.constant 14 : i32
    %get3A_902 = arith.index_cast %get3A_901 : i32 to index
    %get3A_903 = arith.constant 96 : index
    %get3A_904 = tpu.vector_load %arg22[%get3A_902, %get3A_903] {strides = array<i32>} : memref<16x129xf32, #tpu.memory_space<vmem>>, vector<16xf32>,
    %add3A_905 = arith.addf %add3A_900, %get3A_904 : vector<16xf32>
    %get3A_906 = arith.constant 15 : i32
    %get3A_907 = arith.index_cast %get3A_906 : i32 to index
    %get3A_908 = arith.constant 96 : index
    %get3A_909 = tpu.vector_load %arg22[%get3A_907, %get3A_908] {strides = array<i32>} : memref<16x129xf32, #tpu.memory_space<vmem>>, vector<16xf32>,
    %add3A_910 = arith.addf %add3A_905, %get3A_909 : vector<16xf32>
    %max3A_911 = arith.constant 1.000000e-30 : f32
    %max3A_912 = vector.broadcast %max3A_911 : f32 to vector<16xf32>
    %max3A_913 = arith.maximumf %add3A_910, %max3A_912 : vector<16xf32>
    %bitcast_convert_type3A_914 = tpu.bitcast %max3A_913 : vector<16xf32> -> vector<16xi32>
    %shift_right_arithmetic3A_915 = arith.constant 1 : i32
    %shift_right_arithmetic3A_916 = vector.broadcast %shift_right_arithmetic3A_915 : i32 to vector<16xi32>
    %shift_right_arithmetic3A_917 = arith.shrsi %bitcast_convert_type3A_914, %shift_right_arithmetic3A_916 : vector<16xi32>
    %sub3A_918 = arith.constant 1597463007 : i32
    %sub3A_919 = vector.broadcast %sub3A_918 : i32 to vector<16xi32>
    %sub3A_920 = arith.subi %sub3A_919, %shift_right_arithmetic3A_917 : vector<16xi32>
    %bitcast_convert_type3A_921 = tpu.bitcast %sub3A_920 : vector<16xi32> -> vector<16xf32>
    %mul3A_922 = arith.constant 5.000000e-01 : f32
    %mul3A_923 = vector.broadcast %mul3A_922 : f32 to vector<16xf32>
    %mul3A_924 = arith.mulf %mul3A_923, %max3A_913 : vector<16xf32>
    %mul3A_925 = arith.mulf %mul3A_924, %bitcast_convert_type3A_921 : vector<16xf32>
    %mul3A_926 = arith.mulf %mul3A_925, %bitcast_convert_type3A_921 : vector<16xf32>
    %sub3A_927 = arith.constant 1.500000e+00 : f32
    %sub3A_928 = vector.broadcast %sub3A_927 : f32 to vector<16xf32>
    %sub3A_929 = arith.subf %sub3A_928, %mul3A_926 : vector<16xf32>
    %mul3A_930 = arith.mulf %bitcast_convert_type3A_921, %sub3A_929 : vector<16xf32>
    %mul3A_931 = arith.constant 5.000000e-01 : f32
    %mul3A_932 = vector.broadcast %mul3A_931 : f32 to vector<16xf32>
    %mul3A_933 = arith.mulf %mul3A_932, %max3A_913 : vector<16xf32>
    %mul3A_934 = arith.mulf %mul3A_933, %mul3A_930 : vector<16xf32>
    %mul3A_935 = arith.mulf %mul3A_934, %mul3A_930 : vector<16xf32>
    %sub3A_936 = arith.constant 1.500000e+00 : f32
    %sub3A_937 = vector.broadcast %sub3A_936 : f32 to vector<16xf32>
    %sub3A_938 = arith.subf %sub3A_937, %mul3A_935 : vector<16xf32>
    %mul3A_939 = arith.mulf %mul3A_930, %sub3A_938 : vector<16xf32>
    %mul3A_940 = arith.constant 5.000000e-01 : f32
    %mul3A_941 = vector.broadcast %mul3A_940 : f32 to vector<16xf32>
    %mul3A_942 = arith.mulf %mul3A_941, %max3A_913 : vector<16xf32>
    %mul3A_943 = arith.mulf %mul3A_942, %mul3A_939 : vector<16xf32>
    %mul3A_944 = arith.mulf %mul3A_943, %mul3A_939 : vector<16xf32>
    %sub3A_945 = arith.constant 1.500000e+00 : f32
    %sub3A_946 = vector.broadcast %sub3A_945 : f32 to vector<16xf32>
    %sub3A_947 = arith.subf %sub3A_946, %mul3A_944 : vector<16xf32>
    %mul3A_948 = arith.mulf %mul3A_939, %sub3A_947 : vector<16xf32>
    %mul3A_949 = arith.constant 5.000000e-01 : f32
    %mul3A_950 = vector.broadcast %mul3A_949 : f32 to vector<16xf32>
    %mul3A_951 = arith.mulf %mul3A_950, %max3A_913 : vector<16xf32>
    %mul3A_952 = arith.mulf %mul3A_951, %mul3A_948 : vector<16xf32>
    %mul3A_953 = arith.mulf %mul3A_952, %mul3A_948 : vector<16xf32>
    %sub3A_954 = arith.constant 1.500000e+00 : f32
    %sub3A_955 = vector.broadcast %sub3A_954 : f32 to vector<16xf32>
    %sub3A_956 = arith.subf %sub3A_955, %mul3A_953 : vector<16xf32>
    %mul3A_957 = arith.mulf %mul3A_948, %sub3A_956 : vector<16xf32>
    %mul3A_958 = arith.mulf %add3A_910, %mul3A_957 : vector<16xf32>
    %sub3A_959 = arith.constant 1.000000e+00 : f32
    %sub3A_960 = vector.broadcast %sub3A_959 : f32 to vector<16xf32>
    %sub3A_961 = arith.subf %sub3A_960, %mul3A_958 : vector<16xf32>
    %swap3A_962 = arith.constant 96 : index
    %swap3A_963 = tpu.vector_load %arg23[%swap3A_962] {strides = array<i32>} : memref<128xf32, #tpu.memory_space<vmem>>, vector<16xf32>,
    tpu.vector_store %arg23[%swap3A_962], %sub3A_961 {strides = array<i32>} : memref<128xf32, #tpu.memory_space<vmem>>, vector<16xf32>,
    %get3A_964 = arith.constant 0 : i32
    %get3A_965 = arith.index_cast %get3A_964 : i32 to index
    %get3A_966 = arith.constant 112 : index
    %get3A_967 = tpu.vector_load %arg22[%get3A_965, %get3A_966] {strides = array<i32>} : memref<16x129xf32, #tpu.memory_space<vmem>>, vector<16xf32>,
    %get3A_968 = arith.constant 1 : i32
    %get3A_969 = arith.index_cast %get3A_968 : i32 to index
    %get3A_970 = arith.constant 112 : index
    %get3A_971 = tpu.vector_load %arg22[%get3A_969, %get3A_970] {strides = array<i32>} : memref<16x129xf32, #tpu.memory_space<vmem>>, vector<16xf32>,
    %add3A_972 = arith.addf %get3A_967, %get3A_971 : vector<16xf32>
    %get3A_973 = arith.constant 2 : i32
    %get3A_974 = arith.index_cast %get3A_973 : i32 to index
    %get3A_975 = arith.constant 112 : index
    %get3A_976 = tpu.vector_load %arg22[%get3A_974, %get3A_975] {strides = array<i32>} : memref<16x129xf32, #tpu.memory_space<vmem>>, vector<16xf32>,
    %add3A_977 = arith.addf %add3A_972, %get3A_976 : vector<16xf32>
    %get3A_978 = arith.constant 3 : i32
    %get3A_979 = arith.index_cast %get3A_978 : i32 to index
    %get3A_980 = arith.constant 112 : index
    %get3A_981 = tpu.vector_load %arg22[%get3A_979, %get3A_980] {strides = array<i32>} : memref<16x129xf32, #tpu.memory_space<vmem>>, vector<16xf32>,
    %add3A_982 = arith.addf %add3A_977, %get3A_981 : vector<16xf32>
    %get3A_983 = arith.constant 4 : i32
    %get3A_984 = arith.index_cast %get3A_983 : i32 to index
    %get3A_985 = arith.constant 112 : index
    %get3A_986 = tpu.vector_load %arg22[%get3A_984, %get3A_985] {strides = array<i32>} : memref<16x129xf32, #tpu.memory_space<vmem>>, vector<16xf32>,
    %add3A_987 = arith.addf %add3A_982, %get3A_986 : vector<16xf32>
    %get3A_988 = arith.constant 5 : i32
    %get3A_989 = arith.index_cast %get3A_988 : i32 to index
    %get3A_990 = arith.constant 112 : index
    %get3A_991 = tpu.vector_load %arg22[%get3A_989, %get3A_990] {strides = array<i32>} : memref<16x129xf32, #tpu.memory_space<vmem>>, vector<16xf32>,
    %add3A_992 = arith.addf %add3A_987, %get3A_991 : vector<16xf32>
    %get3A_993 = arith.constant 6 : i32
    %get3A_994 = arith.index_cast %get3A_993 : i32 to index
    %get3A_995 = arith.constant 112 : index
    %get3A_996 = tpu.vector_load %arg22[%get3A_994, %get3A_995] {strides = array<i32>} : memref<16x129xf32, #tpu.memory_space<vmem>>, vector<16xf32>,
    %add3A_997 = arith.addf %add3A_992, %get3A_996 : vector<16xf32>
    %get3A_998 = arith.constant 7 : i32
    %get3A_999 = arith.index_cast %get3A_998 : i32 to index
    %get3A_1000 = arith.constant 112 : index
    %get3A_1001 = tpu.vector_load %arg22[%get3A_999, %get3A_1000] {strides = array<i32>} : memref<16x129xf32, #tpu.memory_space<vmem>>, vector<16xf32>,
    %add3A_1002 = arith.addf %add3A_997, %get3A_1001 : vector<16xf32>
    %get3A_1003 = arith.constant 8 : i32
    %get3A_1004 = arith.index_cast %get3A_1003 : i32 to index
    %get3A_1005 = arith.constant 112 : index
    %get3A_1006 = tpu.vector_load %arg22[%get3A_1004, %get3A_1005] {strides = array<i32>} : memref<16x129xf32, #tpu.memory_space<vmem>>, vector<16xf32>,
    %add3A_1007 = arith.addf %add3A_1002, %get3A_1006 : vector<16xf32>
    %get3A_1008 = arith.constant 9 : i32
    %get3A_1009 = arith.index_cast %get3A_1008 : i32 to index
    %get3A_1010 = arith.constant 112 : index
    %get3A_1011 = tpu.vector_load %arg22[%get3A_1009, %get3A_1010] {strides = array<i32>} : memref<16x129xf32, #tpu.memory_space<vmem>>, vector<16xf32>,
    %add3A_1012 = arith.addf %add3A_1007, %get3A_1011 : vector<16xf32>
    %get3A_1013 = arith.constant 10 : i32
    %get3A_1014 = arith.index_cast %get3A_1013 : i32 to index
    %get3A_1015 = arith.constant 112 : index
    %get3A_1016 = tpu.vector_load %arg22[%get3A_1014, %get3A_1015] {strides = array<i32>} : memref<16x129xf32, #tpu.memory_space<vmem>>, vector<16xf32>,
    %add3A_1017 = arith.addf %add3A_1012, %get3A_1016 : vector<16xf32>
    %get3A_1018 = arith.constant 11 : i32
    %get3A_1019 = arith.index_cast %get3A_1018 : i32 to index
    %get3A_1020 = arith.constant 112 : index
    %get3A_1021 = tpu.vector_load %arg22[%get3A_1019, %get3A_1020] {strides = array<i32>} : memref<16x129xf32, #tpu.memory_space<vmem>>, vector<16xf32>,
    %add3A_1022 = arith.addf %add3A_1017, %get3A_1021 : vector<16xf32>
    %get3A_1023 = arith.constant 12 : i32
    %get3A_1024 = arith.index_cast %get3A_1023 : i32 to index
    %get3A_1025 = arith.constant 112 : index
    %get3A_1026 = tpu.vector_load %arg22[%get3A_1024, %get3A_1025] {strides = array<i32>} : memref<16x129xf32, #tpu.memory_space<vmem>>, vector<16xf32>,
    %add3A_1027 = arith.addf %add3A_1022, %get3A_1026 : vector<16xf32>
    %get3A_1028 = arith.constant 13 : i32
    %get3A_1029 = arith.index_cast %get3A_1028 : i32 to index
    %get3A_1030 = arith.constant 112 : index
    %get3A_1031 = tpu.vector_load %arg22[%get3A_1029, %get3A_1030] {strides = array<i32>} : memref<16x129xf32, #tpu.memory_space<vmem>>, vector<16xf32>,
    %add3A_1032 = arith.addf %add3A_1027, %get3A_1031 : vector<16xf32>
    %get3A_1033 = arith.constant 14 : i32
    %get3A_1034 = arith.index_cast %get3A_1033 : i32 to index
    %get3A_1035 = arith.constant 112 : index
    %get3A_1036 = tpu.vector_load %arg22[%get3A_1034, %get3A_1035] {strides = array<i32>} : memref<16x129xf32, #tpu.memory_space<vmem>>, vector<16xf32>,
    %add3A_1037 = arith.addf %add3A_1032, %get3A_1036 : vector<16xf32>
    %get3A_1038 = arith.constant 15 : i32
    %get3A_1039 = arith.index_cast %get3A_1038 : i32 to index
    %get3A_1040 = arith.constant 112 : index
    %get3A_1041 = tpu.vector_load %arg22[%get3A_1039, %get3A_1040] {strides = array<i32>} : memref<16x129xf32, #tpu.memory_space<vmem>>, vector<16xf32>,
    %add3A_1042 = arith.addf %add3A_1037, %get3A_1041 : vector<16xf32>
    %max3A_1043 = arith.constant 1.000000e-30 : f32
    %max3A_1044 = vector.broadcast %max3A_1043 : f32 to vector<16xf32>
    %max3A_1045 = arith.maximumf %add3A_1042, %max3A_1044 : vector<16xf32>
    %bitcast_convert_type3A_1046 = tpu.bitcast %max3A_1045 : vector<16xf32> -> vector<16xi32>
    %shift_right_arithmetic3A_1047 = arith.constant 1 : i32
    %shift_right_arithmetic3A_1048 = vector.broadcast %shift_right_arithmetic3A_1047 : i32 to vector<16xi32>
    %shift_right_arithmetic3A_1049 = arith.shrsi %bitcast_convert_type3A_1046, %shift_right_arithmetic3A_1048 : vector<16xi32>
    %sub3A_1050 = arith.constant 1597463007 : i32
    %sub3A_1051 = vector.broadcast %sub3A_1050 : i32 to vector<16xi32>
    %sub3A_1052 = arith.subi %sub3A_1051, %shift_right_arithmetic3A_1049 : vector<16xi32>
    %bitcast_convert_type3A_1053 = tpu.bitcast %sub3A_1052 : vector<16xi32> -> vector<16xf32>
    %mul3A_1054 = arith.constant 5.000000e-01 : f32
    %mul3A_1055 = vector.broadcast %mul3A_1054 : f32 to vector<16xf32>
    %mul3A_1056 = arith.mulf %mul3A_1055, %max3A_1045 : vector<16xf32>
    %mul3A_1057 = arith.mulf %mul3A_1056, %bitcast_convert_type3A_1053 : vector<16xf32>
    %mul3A_1058 = arith.mulf %mul3A_1057, %bitcast_convert_type3A_1053 : vector<16xf32>
    %sub3A_1059 = arith.constant 1.500000e+00 : f32
    %sub3A_1060 = vector.broadcast %sub3A_1059 : f32 to vector<16xf32>
    %sub3A_1061 = arith.subf %sub3A_1060, %mul3A_1058 : vector<16xf32>
    %mul3A_1062 = arith.mulf %bitcast_convert_type3A_1053, %sub3A_1061 : vector<16xf32>
    %mul3A_1063 = arith.constant 5.000000e-01 : f32
    %mul3A_1064 = vector.broadcast %mul3A_1063 : f32 to vector<16xf32>
    %mul3A_1065 = arith.mulf %mul3A_1064, %max3A_1045 : vector<16xf32>
    %mul3A_1066 = arith.mulf %mul3A_1065, %mul3A_1062 : vector<16xf32>
    %mul3A_1067 = arith.mulf %mul3A_1066, %mul3A_1062 : vector<16xf32>
    %sub3A_1068 = arith.constant 1.500000e+00 : f32
    %sub3A_1069 = vector.broadcast %sub3A_1068 : f32 to vector<16xf32>
    %sub3A_1070 = arith.subf %sub3A_1069, %mul3A_1067 : vector<16xf32>
    %mul3A_1071 = arith.mulf %mul3A_1062, %sub3A_1070 : vector<16xf32>
    %mul3A_1072 = arith.constant 5.000000e-01 : f32
    %mul3A_1073 = vector.broadcast %mul3A_1072 : f32 to vector<16xf32>
    %mul3A_1074 = arith.mulf %mul3A_1073, %max3A_1045 : vector<16xf32>
    %mul3A_1075 = arith.mulf %mul3A_1074, %mul3A_1071 : vector<16xf32>
    %mul3A_1076 = arith.mulf %mul3A_1075, %mul3A_1071 : vector<16xf32>
    %sub3A_1077 = arith.constant 1.500000e+00 : f32
    %sub3A_1078 = vector.broadcast %sub3A_1077 : f32 to vector<16xf32>
    %sub3A_1079 = arith.subf %sub3A_1078, %mul3A_1076 : vector<16xf32>
    %mul3A_1080 = arith.mulf %mul3A_1071, %sub3A_1079 : vector<16xf32>
    %mul3A_1081 = arith.constant 5.000000e-01 : f32
    %mul3A_1082 = vector.broadcast %mul3A_1081 : f32 to vector<16xf32>
    %mul3A_1083 = arith.mulf %mul3A_1082, %max3A_1045 : vector<16xf32>
    %mul3A_1084 = arith.mulf %mul3A_1083, %mul3A_1080 : vector<16xf32>
    %mul3A_1085 = arith.mulf %mul3A_1084, %mul3A_1080 : vector<16xf32>
    %sub3A_1086 = arith.constant 1.500000e+00 : f32
    %sub3A_1087 = vector.broadcast %sub3A_1086 : f32 to vector<16xf32>
    %sub3A_1088 = arith.subf %sub3A_1087, %mul3A_1085 : vector<16xf32>
    %mul3A_1089 = arith.mulf %mul3A_1080, %sub3A_1088 : vector<16xf32>
    %mul3A_1090 = arith.mulf %add3A_1042, %mul3A_1089 : vector<16xf32>
    %sub3A_1091 = arith.constant 1.000000e+00 : f32
    %sub3A_1092 = vector.broadcast %sub3A_1091 : f32 to vector<16xf32>
    %sub3A_1093 = arith.subf %sub3A_1092, %mul3A_1090 : vector<16xf32>
    %swap3A_1094 = arith.constant 112 : index
    %swap3A_1095 = tpu.vector_load %arg23[%swap3A_1094] {strides = array<i32>} : memref<128xf32, #tpu.memory_space<vmem>>, vector<16xf32>,
    tpu.vector_store %arg23[%swap3A_1094], %sub3A_1093 {strides = array<i32>} : memref<128xf32, #tpu.memory_space<vmem>>, vector<16xf32>,
    "tpu.region"() ({
      %run_scoped3A = tpu.sem_alloc : memref<!tpu.dma_semaphore, #tpu.memory_space<semaphore_mem>>
      %dma_start3A_1112 = tpu.memref_slice %arg9[%mul3A_2] : memref<4096xf32, #tpu.memory_space<hbm>> -> memref<128xf32, #tpu.memory_space<hbm>>
      %dma_start3A_1113 = tpu.memref_slice %arg9[%mul3A_2] : memref<4096xf32, #tpu.memory_space<hbm>> -> memref<128xf32, #tpu.memory_space<hbm>>
      tpu.enqueue_dma source(%arg23 : memref<128xf32, #tpu.memory_space<vmem>>) target(%dma_start3A_1113 : memref<128xf32, #tpu.memory_space<hbm>>) target_semaphore(%run_scoped3A : memref<!tpu.dma_semaphore, #tpu.memory_space<semaphore_mem>>)
      %dma_wait3A_1114 = tpu.memref_slice %arg9[%mul3A_2] : memref<4096xf32, #tpu.memory_space<hbm>> -> memref<128xf32, #tpu.memory_space<hbm>>
      %dma_wait3A_1115 = tpu.memref_slice %arg9[%mul3A_2] : memref<4096xf32, #tpu.memory_space<hbm>> -> memref<128xf32, #tpu.memory_space<hbm>>
      tpu.wait_dma2 semaphore(%run_scoped3A : memref<!tpu.dma_semaphore, #tpu.memory_space<semaphore_mem>>) src(%arg23 : memref<128xf32, #tpu.memory_space<vmem>>) dst(%dma_wait3A_1115 : memref<128xf32, #tpu.memory_space<hbm>>)
      tpu.yield
    }) : () -> ()
    %dma_wait3A_1096 = arith.constant 0 : i32
    %dma_wait3A_1097 = tpu.memref_slice %arg10[%mul3A_2, %dma_wait3A_1096] : memref<4096x128xf32, #tpu.memory_space<hbm>> -> memref<128x128xf32, #tpu.memory_space<hbm>>
    %dma_wait3A_1098 = arith.constant 0 : i32
    %dma_wait3A_1099 = tpu.memref_slice %arg10[%mul3A_2, %dma_wait3A_1098] : memref<4096x128xf32, #tpu.memory_space<hbm>> -> memref<128x128xf32, #tpu.memory_space<hbm>>
    tpu.wait_dma2 semaphore(%arg25 : memref<!tpu.dma_semaphore, #tpu.memory_space<semaphore_mem>>) src(%arg18 : memref<128x128xf32, #tpu.memory_space<vmem>>) dst(%dma_wait3A_1099 : memref<128x128xf32, #tpu.memory_space<hbm>>)
    %dma_wait3A_1100 = arith.constant 0 : i32
    %dma_wait3A_1101 = tpu.memref_slice %arg11[%mul3A_2, %dma_wait3A_1100] : memref<4096x64xf32, #tpu.memory_space<hbm>> -> memref<128x64xf32, #tpu.memory_space<hbm>>
    %dma_wait3A_1102 = arith.constant 0 : i32
    %dma_wait3A_1103 = tpu.memref_slice %arg11[%mul3A_2, %dma_wait3A_1102] : memref<4096x64xf32, #tpu.memory_space<hbm>> -> memref<128x64xf32, #tpu.memory_space<hbm>>
    tpu.wait_dma2 semaphore(%arg25 : memref<!tpu.dma_semaphore, #tpu.memory_space<semaphore_mem>>) src(%arg19 : memref<128x64xf32, #tpu.memory_space<vmem>>) dst(%dma_wait3A_1103 : memref<128x64xf32, #tpu.memory_space<hbm>>)
    %dma_wait3A_1104 = arith.constant 0 : i32
    %dma_wait3A_1105 = tpu.memref_slice %arg12[%mul3A_2, %dma_wait3A_1104] : memref<4096x128xf32, #tpu.memory_space<hbm>> -> memref<128x128xf32, #tpu.memory_space<hbm>>
    %dma_wait3A_1106 = arith.constant 0 : i32
    %dma_wait3A_1107 = tpu.memref_slice %arg12[%mul3A_2, %dma_wait3A_1106] : memref<4096x128xf32, #tpu.memory_space<hbm>> -> memref<128x128xf32, #tpu.memory_space<hbm>>
    tpu.wait_dma2 semaphore(%arg25 : memref<!tpu.dma_semaphore, #tpu.memory_space<semaphore_mem>>) src(%arg20 : memref<128x128xf32, #tpu.memory_space<vmem>>) dst(%dma_wait3A_1107 : memref<128x128xf32, #tpu.memory_space<hbm>>)
    %dma_wait3A_1108 = arith.constant 0 : i32
    %dma_wait3A_1109 = tpu.memref_slice %arg13[%mul3A_2, %dma_wait3A_1108] : memref<4096x64xf32, #tpu.memory_space<hbm>> -> memref<128x64xf32, #tpu.memory_space<hbm>>
    %dma_wait3A_1110 = arith.constant 0 : i32
    %dma_wait3A_1111 = tpu.memref_slice %arg13[%mul3A_2, %dma_wait3A_1110] : memref<4096x64xf32, #tpu.memory_space<hbm>> -> memref<128x64xf32, #tpu.memory_space<hbm>>
    tpu.wait_dma2 semaphore(%arg25 : memref<!tpu.dma_semaphore, #tpu.memory_space<semaphore_mem>>) src(%arg21 : memref<128x64xf32, #tpu.memory_space<vmem>>) dst(%dma_wait3A_1111 : memref<128x64xf32, #tpu.memory_space<hbm>>)
    return
  }
}

</mosaic_0001>

<sc_bundles>
// kernel: kernel.3.cloned.1.call-start
scs
__scs_entry_jumppad:
0x0: {  	(pc) =	sbr.rel $0x88, $3  }
0x1: {  	(tag) =	ssettag $0x0;
	lr =	simm.s32 $0x1  }
0x2: {  	[smem:$0x3F9D] =	sst lr;
	_ =	strace $0xD0000000  }
0x3: {  	_ = 	snop  }
0x4: {  	_ = 	snop  }
0x5: {  	_ = 	snop  }
0x6: {  	_ = 	snop  }
0x7: {  	_ = 	snop  }
__scs_overlays_trampoline_lowered:
0x8: {  	[smem:$0x3FAC] =	sst s0  }
0x9: {  	[smem:$0x3FAD] =	sst s1  }
0xa: {  	[smem:$0x3FAE] =	sst s2  }
0xb: {  	[smem:$0x3FAF] =	sst s3  }
0xc: {  	[smem:$0x3FB0] =	sst s4  }
0xd: {  	[smem:$0x3FB1] =	sst s5  }
0xe: {  	[smem:$0x3FB2] =	sst s6  }
0xf: {  	[smem:$0x3FB3] =	sst s7  }
0x10: {  	[smem:$0x3FB4] =	sst s8  }
0x11: {  	[smem:$0x3FB5] =	sst s9;
	s0 =	simm.s32 @!p0 $0x0  }
0x12: {  	s1 =	sld [smem:$0x3F9B];
	s0 =	simm.s32 @p0 $0x1  }
0x13: {  	[smem:$0x3FB6] =	sst s0;
	s0 =	simm.s32 @!p1 $0x0  }
0x14: {  	s2 =	sld [smem:$0x3F9A];
	s0 =	simm.s32 @p1 $0x1  }
0x15: {  	[smem:$0x3FB7] =	sst s0;
	s0 =	simm.s32 @!p2 $0x0  }
0x16: {  	s3 =	sld [smem:$0x3FDB];
	s0 =	simm.s32 @p2 $0x1  }
0x17: {  	s4 =	simm.s32 $0x1BF5;
	[smem:$0x3FB9] =	sst s0  }
0x18: {  	s0 =	sld [smem:$0x3F9C];
	_ =	swait.ge [sflag:s4], $0x0  }
0x19: {  	s7 =	sld [smem:$0x3F9D]  }
0x1a: {  	s8 =	sadd.s32 $0xFFFFE003, lr  }
0x1b: {  	s9 =	sadd.s32 $0xFFFFFEF7, lr;
	s5 =	simm.s32 $0xFFFFFFFF;
	p2 =	slt.u32 s8, $0xFFFFF086  }
0x1c: {  	p1 =	slt.u32 s9, $0xF7A;
	s5 =	simm.s32 @!p2 $0x0  }
0x1d: {  	s5 =	simm.s32 @p1 $0x1;
	p0 =	seq.s32 s7, s2  }
0x1e: {  	s7 =	smul.u32 @!p0 $0xF7A, s2;
	p2 =	seq.s32 @!p0 s5, $0x0  }
0x1f: {  	s9 =	smul.u32 $0xF7A, s1;
	s8 =	simm.s32 @!p0 $0x1BF5;
	p2 =	por !p2, p0  }
0x20: {  	[sflag:s8] =	ssyncset.s32 @!p0 $0xFFFFF086;
	s6 =	sadd.s32 @!p0 s3, s7;
	s7 =	simm.s32 @!p0 $0x108  }
0x21: {  	s3 =	sadd.s32 s3, s9;
	s6 =	sadd.s32 @!p0 $0x88, s6;
	s7 =	simm.s32 @p2 $0x1082  }
0x22: {  	[simem:s7], [sflag:s8] =	dma.local @!p0 [hbm:s6], $0xF7A  }
0x23: {  	s9 =	sor.u32 $0xD0000000, s2;
	s6 =	simm.s32 $0x108;
	_ =	swait.ge @!p0 [sflag:s8], $0x0  }
0x24: {  	s3 =	sadd.s32 $0x88, s3;
	s6 =	simm.s32 @!p1 $0x1082;
	[sflag:s4] =	ssyncset.s32 $0xFFFFF086  }
0x25: {  	[simem:s6], [sflag:s4] =	dma.local [hbm:s3], $0xF7A  }
0x26: {  	[smem:$0x3F9D] =	sst s1;
	(tag) =	ssettag s2;
	_ =	strace s9  }
0x27: {  	s1 =	sld [smem:$0x3FAD]  }
0x28: {  	s2 =	sld [smem:$0x3FAE]  }
0x29: {  	s4 =	sld [smem:$0x3FB0]  }
0x2a: {  	p0 =	seq.s32 s5, $0x0;
	s5 =	sld [smem:$0x3FB1]  }
0x2b: {  	s6 =	sld [smem:$0x3FB2]  }
0x2c: {  	s7 =	sld [smem:$0x3FB3]  }
0x2d: {  	s3 =	simm.s32 $0x108;
	s8 =	sld [smem:$0x3FB4]  }
0x2e: {  	s3 =	simm.s32 @!p0 $0x1082;
	s9 =	sld [smem:$0x3FB5]  }
0x2f: {  	lr =	sadd.s32 s0, s3;
	s0 =	sld [smem:$0x3FAC]  }
0x30: {  	s3 =	sld [smem:$0x3FAF]  }
0x31: {  	[smem:$0x3FB8] =	sst s10  }
0x32: {  	s10 =	sld [smem:$0x3FB6];
	_ =	sdelay $0x3  }
0x33: {  	p0 =	seq.s32 s10, $0x1;
	s10 =	sld [smem:$0x3FB8];
	_ =	sdelay $0x3  }
0x34: {  	[smem:$0x3FB8] =	sst s10  }
0x35: {  	s10 =	sld [smem:$0x3FB7];
	_ =	sdelay $0x3  }
0x36: {  	p1 =	seq.s32 s10, $0x1;
	s10 =	sld [smem:$0x3FB8];
	_ =	sdelay $0x3  }
0x37: {  	[smem:$0x3FB8] =	sst s10  }
0x38: {  	s10 =	sld [smem:$0x3FB9]  }
0x39: {  	_ = 	snop;
	(pc) =	sbr.ind lr, $3  }
0x3a: {  	_ = 	snop  }
0x3b: {  	_ = 	snop  }
0x3c: {  	p2 =	seq.s32 s10, $0x1;
	s10 =	sld [smem:$0x3FB8]  }
0x3d: {  	_ =	shalt  }
0x3e: {  	_ =	shalt  }
0x3f: {  	_ =	shalt  }
0x40: {  	_ =	shalt  }
0x41: {  	_ =	shalt  }
0x42: {  	_ =	shalt  }
0x43: {  	_ =	shalt  }
0x44: {  	_ =	shalt  }
0x45: {  	_ =	shalt  }
0x46: {  	_ =	shalt  }
0x47: {  	_ =	shalt  }
0x48: {  	_ =	shalt  }
0x49: {  	_ =	shalt  }
0x4a: {  	_ =	shalt  }
0x4b: {  	_ =	shalt  }
0x4c: {  	_ =	shalt  }
0x4d: {  	_ =	shalt  }
0x4e: {  	_ =	shalt  }
0x4f: {  	_ =	shalt  }
0x50: {  	_ =	shalt  }
0x51: {  	_ =	shalt  }
0x52: {  	_ =	shalt  }
0x53: {  	_ =	shalt  }
0x54: {  	_ =	shalt  }
0x55: {  	_ =	shalt  }
0x56: {  	_ =	shalt  }
0x57: {  	_ =	shalt  }
0x58: {  	_ =	shalt  }
0x59: {  	_ =	shalt  }
0x5a: {  	_ =	shalt  }
0x5b: {  	_ =	shalt  }
0x5c: {  	_ =	shalt  }
0x5d: {  	_ =	shalt  }
0x5e: {  	_ =	shalt  }
0x5f: {  	_ =	shalt  }
0x60: {  	_ =	shalt  }
0x61: {  	_ =	shalt  }
0x62: {  	_ =	shalt  }
0x63: {  	_ =	shalt  }
0x64: {  	_ =	shalt  }
0x65: {  	_ =	shalt  }
0x66: {  	_ =	shalt  }
0x67: {  	_ =	shalt  }
0x68: {  	_ =	shalt  }
0x69: {  	_ =	shalt  }
0x6a: {  	_ =	shalt  }
0x6b: {  	_ =	shalt  }
0x6c: {  	_ =	shalt  }
0x6d: {  	_ =	shalt  }
0x6e: {  	_ =	shalt  }
0x6f: {  	_ =	shalt  }
0x70: {  	_ =	shalt  }
0x71: {  	_ =	shalt  }
0x72: {  	_ =	shalt  }
0x73: {  	_ =	shalt  }
0x74: {  	_ =	shalt  }
0x75: {  	_ =	shalt  }
0x76: {  	_ =	shalt  }
0x77: {  	_ =	shalt  }
0x78: {  	_ =	shalt  }
0x79: {  	_ =	shalt  }
0x7a: {  	_ =	shalt  }
0x7b: {  	_ =	shalt  }
0x7c: {  	_ =	shalt  }
0x7d: {  	_ =	shalt  }
0x7e: {  	_ =	shalt  }
0x7f: {  	_ =	shalt  }
0x80: {  	_ =	shalt  }
0x81: {  	_ =	shalt  }
0x82: {  	_ =	shalt  }
0x83: {  	_ =	shalt  }
0x84: {  	_ =	shalt  }
0x85: {  	_ =	shalt  }
0x86: {  	_ =	shalt  }
0x87: {  	_ =	shalt  }
.Lfunc_end0:
.L_simem_size_0:
called_computation_lowered:
.L_overlay_start_0:
0x88: {  	s2 =	sld [smem:$0x3FD9]  }
0x89: {  	s3 =	sld [smem:$0x3FFE];
	_ =	sdelay $0x1  }
0x8a: {  	s1 =	srdreg.scid  }
0x8b: {  	s0 =	sand.u32 $0x1, s1  }
0x8c: {  	s14 =	sshll.u32 s0, $0xA;
	s2 =	sadd.s32 s3, s2  }
0x8d: {  	s2 =	sadd.s32 s2, s14  }
0x8e: {  	[smem:$0x3FC4] =	sst s2  }
0x8f: {  	_ = 	snop  }
0x90: {  	s2 =	sld [smem:$0x3FD0];
	_ =	sdelay $0x2  }
0x91: {  	s4 =	simm.s32 $0xA;
	s5 =	simm.s32 $0x10;
	s15 =	sld [smem:$0x3FC8]  }
0x92: {  	[smem:s5], [sflag:s4] =	dma.local [hbm:s2], $0x1  }
0x93: {  	_ =	swait.eq [sflag:s4], $0x1  }
0x94: {  	s16 =	sld [smem:$0x10]  }
0x95: {  	s17 =	sld [smem:$0x11]  }
0x96: {  	s6 =	sld [smem:$0x12];
	[sflag:s4] =	ssyncset.done $0x0  }
0x97: {  	s7 =	sld [smem:$0x13];
	[sflag:s4] =	ssyncadd.s32 $0xFFFFFFFF  }
0x98: {  	s18 =	sld [smem:$0x14];
	(tm) =	ssettm $0x1  }
0x99: {  	s8 =	sld [smem:$0x3FFB];
	_ =	sdelay $0x3  }
0x9a: {  	_ =	strace s8  }
0x9b: {  	s8 =	sld [smem:$0x3FFC];
	_ =	sdelay $0x3  }
0x9c: {  	_ =	strace s8  }
0x9d: {  	s8 =	sld [smem:$0x3FFD];
	_ =	sdelay $0x3  }
0x9e: {  	_ =	strace s8  }
0x9f: {  	_ =	strace $0x8FFFFFFF  }
0xa0: {  	s19 =	sld [smem:$0x3FDB];
	_ =	sdelay $0x1  }
0xa1: {  	s9 =	simm.s32 $_scs_section_size  }
0xa2: {  	s10 =	simm.s32 $_size__tile_overlayer_lowered;
	s11 =	simm.s32 $_tile_overlayer_lowered  }
0xa3: {  	s22 =	simm.s32 $0x1BFF;
	s21 =	sshll.u32 s11, $0x1;
	s8 =	sadd.s32 s9, s19  }
0xa4: {  	s12 =	simm.s32 $0x0;
	s20 =	sshll.u32 s10, $0x1;
	s10 =	sadd.s32 s21, s8  }
0xa5: {  	[timem:s12], [sflag:s22] =	dma.local [hbm:s10], s20  }
0xa6: {  	_ =	swait.ge [sflag:s22], s20  }
0xa7: {  	s9 =	ssub.s32 $0x0, s20;
	[sflag:s22] =	ssyncset.done $0x0  }
0xa8: {  	[sflag:s22] =	ssyncadd.s32 s9;
	_ =	sdelay $0x1  }
0xa9: {  	s23 =	simm.s32 $0x1B8B  }
0xaa: {  	_ =	swait.ge [sflag:s23], $0x1  }
0xab: {  	[sflag:s23] =	ssyncset.done $0x0  }
0xac: {  	s25 =	simm.s32 $0x1B8E;
	s24 =	sld [smem:$0x3FFE];
	[sflag:s23] =	ssyncadd.s32 $0xFFFFFFFF  }
0xad: {  	s26 =	simm.s32 $execute0_lowered;
	[smem:$0x3FD2] =	sst s25  }
0xae: {  	s10 =	sshll.u32 s26, $0x1;
	_ =	strace $0x80000046;
	[dreg:$0x1] =	wrdreg $0xFFFFFFFF  }
0xaf: {  	s28 =	simm.s32 $_size_execute0_lowered;
	s8 =	sadd.s32 s8, s10;
	[dreg:$0x0] =	wrdreg $0x0  }
0xb0: {  	s10 =	sshll.u32 s28, $0x1;
	[dreg:$0x2] =	wrdreg s8  }
0xb1: {  	[dreg:$0x3] =	wrdreg s10  }
0xb2: {  	[dreg:$0x4] =	wrdreg $0xC0  }
0xb3: {  	_ =	task [dreg:s12], $0x5FFFF  }
0xb4: {  	[dreg:$0x1] =	wrdreg $0xFFFFFFFF  }
0xb5: {  	[dreg:$0x0] =	wrdreg $0x60  }
0xb6: {  	[dreg:$0x2] =	wrdreg s24  }
0xb7: {  	[dreg:$0x3] =	wrdreg s6  }
0xb8: {  	[dreg:$0x4] =	wrdreg s15  }
0xb9: {  	[dreg:$0x5] =	wrdreg s16  }
0xba: {  	[dreg:$0x6] =	wrdreg s17  }
0xbb: {  	[dreg:$0x7] =	wrdreg s18  }
0xbc: {  	[dreg:$0x8] =	wrdreg s7  }
0xbd: {  	[dreg:$0x9] =	wrdreg $0x9  }
0xbe: {  	_ =	task.clear_ibuf [dreg:s12], $0xAFFFF;
	_ =	strace $0x90000046  }
0xbf: {  	s29 =	simm.s32 $0x9;
	_ =	strace $0x80000048  }
0xc0: {  	_ =	swait.ge [sflag:s29], $0x1  }
0xc1: {  	[sflag:s29] =	ssyncadd.s32 $0xFFFFFFFF  }
0xc2: {  	_ =	strace $0x90000048  }
0xc3: {  	_ =	sfence  }
0xc4: {  	s30 =	sld [smem:$0x0];
	_ =	sdelay $0x2  }
0xc5: {  	s31 =	sshll.u32 s1, $0xD;
	s1 =	sshrl.u32 s1, $0x2  }
0xc6: {  	s3 =	sand.u32 $0x4000, s31;
	s1 =	sadd.s32 s1, s30  }
0xc7: {  	s0 =	sor.u32 s3, s0;
	s1 =	sshll.u32 s1, $0x11  }
0xc8: {  	s0 =	sor.u32 s1, s0  }
0xc9: {  	s0 =	sadd.s32 $0x8F2B, s0  }
0xca: {  	[sflag:s0] =	ssyncadd.remote.s32 $0x1  }
0xcb: {  	_ =	sfence.sel $0xFFFF  }
0xcc: {  	[dreg:$0x0] =	wrdreg $0xFFFFFFFF;
	(pc) =	sbr.abs _section_cstart, $3  }
0xcd: {  	[dreg:$0x1] =	wrdreg $0xFFFFFFFF  }
0xce: {  	_ =	task.clear_ibuf [dreg:s12], $0x2FFFF;
	_ =	strace $0x9FFFFFFF  }
0xcf: {  	(tm) =	ssettm $0x7FFFFFFF  }
tec
execute0_lowered:
.L_overlay_start_1:
0x0: {  	(tag) =	ssettag $0x1  }
0x1: {  	s0 =	rddreg [dreg:$0x0]  }
0x2: {  	s1 =	rddreg [dreg:$0x1]  }
0x3: {  	s2 =	rddreg [dreg:$0x3]  }
0x4: {  	s10 =	rddreg [dreg:$0x4]  }
0x5: {  	s3 =	srdreg.scid;
	s11 =	rddreg [dreg:$0x5]  }
0x6: {  	s5 =	stileid.u32;
	s12 =	rddreg [dreg:$0x6]  }
0x7: {  	s17 =	simm.s32 $0x80;
	s18 =	simm.s32 $0x100;
	s19 =	simm.s32 $0x180  }
0x8: {  	s20 =	simm.s32 $0x200;
	s21 =	simm.s32 $0x4200;
	s22 =	simm.s32 $0x6200  }
0x9: {  	s23 =	simm.s32 $0xA200;
	s24 =	simm.s32 $0x1;
	s25 =	simm.s32 $0xC200  }
0xa: {  	s28 =	simm.s32 $0x2;
	s29 =	simm.s32 $0x0;
	s4 =	sand.u32 $0x1, s3  }
0xb: {  	s5 =	sshll.u32 s5, $0x8;
	s3 =	simm.s32 $0x0;
	s6 =	sshll.u32 s4, $0x7  }
0xc: {  	[smem:$0x7FF] =	sst s3;
	s31 =	ssub.s32 $0x2, s4;
	s4 =	sadd.s32 $0x189600, s0  }
0xd: {  	s8 =	sor.u32 s6, s5;
	_ =	strace $0x80000047;
	s7 =	sshrl.u32 s31, $0x1  }
0xe: {  	s5 =	sadd.s32 $0x24CC00, s0;
	s14 =	sshrl.u32 s8, $0x3;
	s13 =	sshll.u32 s8, $0x3  }
0xf: {  	s15 =	ssub.s32 s31, s7;
	s16 =	sshll.u32 s8, $0x4;
	s9 =	sadd.s32 s14, s0  }
0x10: {  	s0 =	sadd.s32 s13, s0;
	s10 =	sadd.s32 s10, s16;
	s11 =	sadd.s32 s11, s13  }
0x11: {  	s12 =	sadd.s32 s12, s16;
	s15 =	smax.u32 s15, $0x1;
	s16 =	simm.s32 $0x3  }
0x12: {  	v0 =	vlaneseq.u32;
	s6 =	sadd.s32 $0x2A00, s9;
	s7 =	sadd.s32 $0x2800, s9;
	s8 =	sadd.s32 $0x2600, s9  }
0x13: {  	v0 =	vmul.u32 $0x88, v0;
	s9 =	sadd.s32 s1, s14;
	s13 =	sadd.s32 $0x2C00, s0;
	s14 =	sadd.s32 s2, s14  }
.LBB2_1:
0x14: {  	[tilespmem:s3], [sflag:$0x3] =	stream.linear.gather [hbm4b:s6+s3], $0x80, $0x38;
	[tilespmem:$0xCB00] =	vst v63  }
0x15: {  	_ =	swait.ge [sflag:s16], $0x80  }
0x16: {  	[sflag:s16] =	ssyncset.done $0x0  }
0x17: {  	[sflag:s16] =	ssyncadd.s32 $0xFFFFFF80  }
0x18: {  	[tilespmem:s17], [sflag:$0x3] =	stream.linear.gather [hbm4b:s7+s3], $0x80, $0x38;
	[tilespmem:$0xCB00] =	vst v63  }
0x19: {  	_ =	swait.ge [sflag:s16], $0x80  }
0x1a: {  	[sflag:s16] =	ssyncset.done $0x0  }
0x1b: {  	[sflag:s16] =	ssyncadd.s32 $0xFFFFFF80  }
0x1c: {  	[tilespmem:s18], [sflag:$0x3] =	stream.linear.gather [hbm4b:s8+s3], $0x80, $0x38;
	[tilespmem:$0xCB00] =	vst v63  }
0x1d: {  	_ =	swait.ge [sflag:s16], $0x80  }
0x1e: {  	[sflag:s16] =	ssyncset.done $0x0  }
0x1f: {  	[sflag:s16] =	ssyncadd.s32 $0xFFFFFF80  }
0x20: {  	[tilespmem:s19], [sflag:$0x3] =	stream.linear.gather [hbm4b:s9+s3], $0x80, $0x38;
	[tilespmem:$0xCB00] =	vst v63  }
0x21: {  	_ =	swait.ge [sflag:s16], $0x80  }
0x22: {  	[sflag:s16] =	ssyncset.done $0x0  }
0x23: {  	[sflag:s16] =	ssyncadd.s32 $0xFFFFFF80  }
0x24: {  	s0 =	rddreg [dreg:$0x2]  }
0x25: {  	[tilespmem:s20], [sflag:$0x1] =	stream.indirect.gather [hbm4b:s0+s17], $0x80, s3, s17, $0xb8;
	[tilespmem:$0xCB00] =	vst v63  }
0x26: {  	_ = 	snop  }
0x27: {  	[tilespmem:s21], [sflag:$0x1] =	stream.indirect.gather [hbm4b:s4+s17], $0x40, s17, s17, $0xb8;
	[tilespmem:$0xCB00] =	vst v63  }
0x28: {  	_ = 	snop  }
0x29: {  	[tilespmem:s22], [sflag:$0x1] =	stream.indirect.gather [hbm4b:s0+s17], $0x80, s18, s17, $0xb8;
	[tilespmem:$0xCB00] =	vst v63  }
0x2a: {  	_ = 	snop  }
0x2b: {  	[tilespmem:s23], [sflag:$0x1] =	stream.indirect.gather [hbm4b:s5+s17], $0x40, s19, s17, $0xb8;
	[tilespmem:$0xCB00] =	vst v63  }
0x2c: {  	_ =	swait.ge [sflag:s24], $0x4000  }
0x2d: {  	[sflag:s24] =	ssyncset.done $0x0  }
0x2e: {  	[sflag:s24] =	ssyncadd.s32 $0xFFFFC000  }
0x2f: {  	_ =	swait.ge [sflag:s24], $0x2000  }
0x30: {  	[sflag:s24] =	ssyncset.done $0x0  }
0x31: {  	[sflag:s24] =	ssyncadd.s32 $0xFFFFE000  }
0x32: {  	_ =	swait.ge [sflag:s24], $0x4000  }
0x33: {  	[sflag:s24] =	ssyncset.done $0x0  }
0x34: {  	[sflag:s24] =	ssyncadd.s32 $0xFFFFC000  }
0x35: {  	_ =	swait.ge [sflag:s24], $0x2000  }
0x36: {  	[sflag:s24] =	ssyncset.done $0x0  }
0x37: {  	[sflag:s24] =	ssyncadd.s32 $0xFFFFE000  }
0x38: {  	[hbm4b:s10+s3] =	stream.linear.scatter [tilespmem:s20], [sflag:$0x2], $0x4000, $0x38;
	[tilespmem:$0xCB00] =	vst v63  }
0x39: {  	_ = 	snop  }
0x3a: {  	[hbm4b:s11+s3] =	stream.linear.scatter [tilespmem:s21], [sflag:$0x2], $0x2000, $0x38;
	[tilespmem:$0xCB00] =	vst v63  }
0x3b: {  	_ = 	snop  }
0x3c: {  	[hbm4b:s12+s3] =	stream.linear.scatter [tilespmem:s22], [sflag:$0x2], $0x4000, $0x38;
	[tilespmem:$0xCB00] =	vst v63  }
0x3d: {  	s26 =	simm.s32 $0x240  }
0x3e: {  	[hbm4b:s13+s3] =	stream.linear.scatter [tilespmem:s23], [sflag:$0x2], $0x2000, $0x38;
	[tilespmem:$0xCB00] =	vst v63  }
0x3f: {  	v1 =	vld [tilespmem:s26+$0x30]  }
0x40: {  	v2 =	vld [tilespmem:s26+$0x20]  }
0x41: {  	v3 =	vld [tilespmem:s26+$0x10]  }
0x42: {  	v4 =	vld [tilespmem:s26+$0x0]  }
0x43: {  	s1 =	simm.s32 $0x6240;
	v5 =	vld [tilespmem:s26+$0xFFFFFFF0]  }
0x44: {  	v6 =	vld [tilespmem:s1+$0xFFFFFFC0]  }
0x45: {  	s2 =	simm.s32 $0x4220;
	v7 =	vld [tilespmem:s26+$0xFFFFFFE0]  }
0x46: {  	v8 =	vld [tilespmem:s2+$0xFFFFFFE0]  }
0x47: {  	v9 =	vld [tilespmem:s26+$0xFFFFFFC0]  }
0x48: {  	v10 =	vld [tilespmem:s26+$0xFFFFFFD0]  }
0x49: {  	v11 =	vld [tilespmem:s2+$0xFFFFFFF0]  }
0x4a: {  	v12 =	vld [tilespmem:s2+$0x0]  }
0x4b: {  	v13 =	vld [tilespmem:s1+$0xFFFFFFD0]  }
0x4c: {  	v14 =	vld [tilespmem:s2+$0x10]  }
0x4d: {  	s30 =	simm.s32 $0xA220;
	v15 =	vld [tilespmem:s1+$0xFFFFFFE0]  }
0x4e: {  	v8 =	vadd.f32 v8, v9;
	v9 =	vadd.f32 v11, v10;
	v10 =	vld [tilespmem:s30+$0xFFFFFFE0]  }
0x4f: {  	v7 =	vadd.f32 v12, v7;
	v11 =	vld [tilespmem:s1+$0xFFFFFFF0]  }
0x50: {  	v6 =	vsub.f32 v8, v6;
	v8 =	vsub.f32 v9, v13;
	v9 =	vld [tilespmem:s30+$0xFFFFFFF0]  }
0x51: {  	v62 =	vld [tilespmem:s1+$0x0];
	v5 =	vadd.f32 v14, v5  }
0x52: {  	v63 =	vld [tilespmem:s30+$0x0];
	v7 =	vsub.f32 v7, v15;
	v6 =	vmul.f32 v6, v6;
	v8 =	vmul.f32 v8, v8  }
0x53: {  	v4 =	vadd.f32 v10, v4;
	v10 =	vld [tilespmem:s1+$0x10]  }
0x54: {  	v7 =	vmul.f32 v7, v7;
	v5 =	vsub.f32 v5, v11;
	v6 =	vadd.f32 v8, v6;
	v8 =	vld [tilespmem:s30+$0x10]  }
0x55: {  	v3 =	vadd.f32 v9, v3;
	v9 =	vld [tilespmem:s1+$0x20]  }
0x56: {  	v5 =	vmul.f32 v5, v5;
	v4 =	vsub.f32 v4, v62;
	v6 =	vadd.f32 v7, v6  }
0x57: {  	v2 =	vadd.f32 v63, v2;
	v7 =	vld [tilespmem:s1+$0x30]  }
0x58: {  	v4 =	vmul.f32 v4, v4;
	v5 =	vadd.f32 v5, v6;
	v3 =	vsub.f32 v3, v10  }
0x59: {  	v6 =	vmov s3;
	v1 =	vadd.f32 v8, v1  }
0x5a: {  	v4 =	vadd.f32 v4, v5;
	v3 =	vmul.f32 v3, v3;
	v2 =	vsub.f32 v2, v9  }
0x5b: {  	v5 =	vand.u32 $0x7F, v6  }
0x5c: {  	v1 =	vsub.f32 v1, v7;
	v3 =	vadd.f32 v3, v4;
	v2 =	vmul.f32 v2, v2  }
0x5d: {  	v4 =	vadd.s32 v0, v5  }
0x5e: {  	v1 =	vmul.f32 v1, v1;
	v2 =	vadd.f32 v2, v3;
	_ =	sdelay $0x1  }
0x5f: {  	v1 =	vadd.f32 v1, v2;
	_ =	sdelay $0x1  }
0x60: {  	s1 =	simm.s32 $0x2C0;
	[tilespmem:v4+s25+$0x0] =	vst.idx.msk $0xffff, v1  }
0x61: {  	v1 =	vld [tilespmem:s1+$0x30]  }
0x62: {  	v2 =	vld [tilespmem:s1+$0x20]  }
0x63: {  	v3 =	vld [tilespmem:s1+$0x10]  }
0x64: {  	v4 =	vld [tilespmem:s1+$0x0]  }
0x65: {  	s31 =	simm.s32 $0x62C0;
	v5 =	vld [tilespmem:s1+$0xFFFFFFF0]  }
0x66: {  	v6 =	vld [tilespmem:s31+$0xFFFFFFC0]  }
0x67: {  	s26 =	simm.s32 $0x4260;
	v7 =	vld [tilespmem:s1+$0xFFFFFFE0]  }
0x68: {  	v8 =	vld [tilespmem:s26+$0xFFFFFFE0]  }
0x69: {  	v9 =	vld [tilespmem:s1+$0xFFFFFFC0]  }
0x6a: {  	v10 =	vld [tilespmem:s1+$0xFFFFFFD0]  }
0x6b: {  	s0 =	simm.s32 $0x2;
	s2 =	simm.s32 $0x1;
	v11 =	vld [tilespmem:s26+$0xFFFFFFF0]  }
.LBB2_2:
0x6c: {  	p0 =	sne.s32 s0, $0x7F;
	v12 =	vld [tilespmem:s26+$0x0]  }
0x6d: {  	v13 =	vld [tilespmem:s31+$0xFFFFFFD0]  }
0x6e: {  	v14 =	vld [tilespmem:s26+$0x10]  }
0x6f: {  	s30 =	sadd.s32 $0x40, s30;
	v15 =	vld [tilespmem:s31+$0xFFFFFFE0]  }
0x70: {  	v8 =	vadd.f32 v8, v9;
	v9 =	vadd.f32 v11, v10;
	v10 =	vld [tilespmem:s30+$0xFFFFFFE0]  }
0x71: {  	v7 =	vadd.f32 v12, v7;
	v11 =	vld [tilespmem:s31+$0xFFFFFFF0]  }
0x72: {  	v6 =	vsub.f32 v8, v6;
	v8 =	vsub.f32 v9, v13;
	v9 =	vld [tilespmem:s30+$0xFFFFFFF0]  }
0x73: {  	v5 =	vadd.f32 v14, v5;
	v12 =	vld [tilespmem:s31+$0x0]  }
0x74: {  	v6 =	vmul.f32 v6, v6;
	v8 =	vmul.f32 v8, v8;
	v7 =	vsub.f32 v7, v15;
	v13 =	vld [tilespmem:s30+$0x0]  }
0x75: {  	v4 =	vadd.f32 v10, v4;
	v10 =	vld [tilespmem:s31+$0x10]  }
0x76: {  	v6 =	vadd.f32 v8, v6;
	v7 =	vmul.f32 v7, v7;
	v5 =	vsub.f32 v5, v11;
	v8 =	vld [tilespmem:s30+$0x10]  }
0x77: {  	v3 =	vadd.f32 v9, v3;
	v9 =	vld [tilespmem:s31+$0x20]  }
0x78: {  	v6 =	vadd.f32 v7, v6;
	v5 =	vmul.f32 v5, v5;
	v4 =	vsub.f32 v4, v12  }
0x79: {  	v2 =	vadd.f32 v13, v2;
	v7 =	vld [tilespmem:s31+$0x30]  }
0x7a: {  	v5 =	vadd.f32 v5, v6;
	v4 =	vmul.f32 v4, v4;
	v3 =	vsub.f32 v3, v10  }
0x7b: {  	v6 =	vmov s2;
	s2 =	smov.u32 s0;
	v1 =	vadd.f32 v8, v1  }
0x7c: {  	v4 =	vadd.f32 v4, v5;
	v3 =	vmul.f32 v3, v3;
	v2 =	vsub.f32 v2, v9  }
0x7d: {  	v5 =	vand.u32 $0x7F, v6  }
0x7e: {  	v3 =	vadd.f32 v3, v4;
	v2 =	vmul.f32 v2, v2;
	v1 =	vsub.f32 v1, v7  }
0x7f: {  	v4 =	vadd.s32 v0, v5  }
0x80: {  	v2 =	vadd.f32 v2, v3;
	v1 =	vmul.f32 v1, v1;
	_ =	sdelay $0x1  }
0x81: {  	v1 =	vadd.f32 v1, v2;
	_ =	sdelay $0x1  }
0x82: {  	s1 =	sadd.s32 $0x80, s1;
	[tilespmem:v4+s25+$0x0] =	vst.idx.msk $0xffff, v1  }
0x83: {  	v1 =	vld [tilespmem:s1+$0x30]  }
0x84: {  	v2 =	vld [tilespmem:s1+$0x20]  }
0x85: {  	v3 =	vld [tilespmem:s1+$0x10]  }
0x86: {  	v4 =	vld [tilespmem:s1+$0x0]  }
0x87: {  	s31 =	sadd.s32 $0x80, s31;
	v5 =	vld [tilespmem:s1+$0xFFFFFFF0]  }
0x88: {  	v6 =	vld [tilespmem:s31+$0xFFFFFFC0]  }
.Ltmp0:
0x89: {  	s26 =	sadd.s32 $0x40, s26;
	v7 =	vld [tilespmem:s1+$0xFFFFFFE0];
	(pc) =	sbr.rel @p0 .LBB2_2-.Ltmp0, $4  }
0x8a: {  	v8 =	vld [tilespmem:s26+$0xFFFFFFE0]  }
0x8b: {  	v9 =	vld [tilespmem:s1+$0xFFFFFFC0]  }
0x8c: {  	v10 =	vld [tilespmem:s1+$0xFFFFFFD0]  }
0x8d: {  	s0 =	sadd.s32 $0x1, s0;
	v11 =	vld [tilespmem:s26+$0xFFFFFFF0]  }
0x8e: {  	v12 =	vld [tilespmem:s26+$0x0]  }
0x8f: {  	v13 =	vld [tilespmem:s31+$0xFFFFFFD0]  }
0x90: {  	v14 =	vld [tilespmem:s26+$0x10]  }
0x91: {  	v15 =	vld [tilespmem:s31+$0xFFFFFFE0];
	s0 =	sadd.s32 $0x40, s30;
	v8 =	vadd.f32 v8, v9  }
0x92: {  	v35 =	vld [tilespmem:s0+$0xFFFFFFE0];
	v34 =	vadd.f32 v11, v10  }
0x93: {  	v36 =	vld [tilespmem:s31+$0xFFFFFFF0];
	v6 =	vsub.f32 v8, v6  }
0x94: {  	v38 =	vld [tilespmem:s0+$0xFFFFFFF0];
	v7 =	vadd.f32 v12, v7;
	v37 =	vsub.f32 v34, v13  }
0x95: {  	v39 =	vld [tilespmem:s31+$0x0];
	v5 =	vadd.f32 v14, v5  }
0x96: {  	v40 =	vld [tilespmem:s0+$0x0];
	v6 =	vmul.f32 v6, v6;
	v7 =	vsub.f32 v7, v15;
	v8 =	vmul.f32 v37, v37  }
0x97: {  	v41 =	vld [tilespmem:s31+$0x10];
	v4 =	vadd.f32 v35, v4  }
0x98: {  	v42 =	vld [tilespmem:s0+$0x10];
	v5 =	vsub.f32 v5, v36;
	v7 =	vmul.f32 v7, v7;
	v6 =	vadd.f32 v8, v6  }
0x99: {  	v43 =	vld [tilespmem:s31+$0x20];
	v3 =	vadd.f32 v38, v3  }
0x9a: {  	v4 =	vsub.f32 v4, v39;
	v5 =	vmul.f32 v5, v5;
	v6 =	vadd.f32 v7, v6  }
0x9b: {  	v44 =	vld [tilespmem:s31+$0x30];
	v2 =	vadd.f32 v40, v2  }
0x9c: {  	v3 =	vsub.f32 v3, v41;
	v4 =	vmul.f32 v4, v4;
	v5 =	vadd.f32 v5, v6  }
0x9d: {  	v45 =	vmov s2;
	v1 =	vadd.f32 v42, v1  }
0x9e: {  	v2 =	vsub.f32 v2, v43;
	v3 =	vmul.f32 v3, v3;
	v4 =	vadd.f32 v4, v5  }
0x9f: {  	v46 =	vand.u32 $0x7F, v45  }
0xa0: {  	v1 =	vsub.f32 v1, v44;
	v2 =	vmul.f32 v2, v2;
	v3 =	vadd.f32 v3, v4  }
0xa1: {  	v47 =	vadd.s32 v0, v46  }
0xa2: {  	v1 =	vmul.f32 v1, v1;
	v2 =	vadd.f32 v2, v3;
	_ =	sdelay $0x1  }
0xa3: {  	v1 =	vadd.f32 v1, v2;
	_ =	sdelay $0x1  }
0xa4: {  	[tilespmem:v47+s25+$0x0] =	vst.idx.msk $0xffff, v1  }
0xa5: {  	v1 =	vld [tilespmem:$0xC200]  }
0xa6: {  	v2 =	vld [tilespmem:$0xC288]  }
0xa7: {  	v3 =	vld [tilespmem:$0xC310]  }
0xa8: {  	v4 =	vld [tilespmem:$0xC398]  }
0xa9: {  	v48 =	vld [tilespmem:$0xC420]  }
0xaa: {  	v49 =	vld [tilespmem:$0xC4A8]  }
0xab: {  	v50 =	vld [tilespmem:$0xC530]  }
0xac: {  	v51 =	vld [tilespmem:$0xC5B8]  }
0xad: {  	v52 =	vld [tilespmem:$0xC640]  }
0xae: {  	v53 =	vld [tilespmem:$0xC6C8]  }
0xaf: {  	v54 =	vld [tilespmem:$0xC750]  }
0xb0: {  	v55 =	vld [tilespmem:$0xC7D8]  }
0xb1: {  	v56 =	vld [tilespmem:$0xC860]  }
0xb2: {  	v57 =	vld [tilespmem:$0xC8E8]  }
0xb3: {  	v58 =	vld [tilespmem:$0xC970]  }
0xb4: {  	v16 =	vld [tilespmem:$0xC9F8]  }
0xb5: {  	v17 =	vld [tilespmem:$0xC210]  }
0xb6: {  	v18 =	vld [tilespmem:$0xC298]  }
0xb7: {  	v19 =	vld [tilespmem:$0xC320]  }
0xb8: {  	v20 =	vld [tilespmem:$0xC3A8]  }
0xb9: {  	v21 =	vld [tilespmem:$0xC430]  }
0xba: {  	v22 =	vld [tilespmem:$0xC4B8]  }
0xbb: {  	v23 =	vld [tilespmem:$0xC540]  }
0xbc: {  	v24 =	vld [tilespmem:$0xC5C8]  }
0xbd: {  	v25 =	vld [tilespmem:$0xC650]  }
0xbe: {  	v26 =	vld [tilespmem:$0xC6D8]  }
0xbf: {  	v27 =	vld [tilespmem:$0xC760]  }
0xc0: {  	v28 =	vld [tilespmem:$0xC7E8]  }
0xc1: {  	v29 =	vld [tilespmem:$0xC870]  }
0xc2: {  	v30 =	vld [tilespmem:$0xC8F8]  }
0xc3: {  	v31 =	vld [tilespmem:$0xC980]  }
0xc4: {  	v32 =	vld [tilespmem:$0xCA08]  }
0xc5: {  	v33 =	vld [tilespmem:$0xC220]  }
0xc6: {  	v34 =	vld [tilespmem:$0xC2A8]  }
0xc7: {  	v35 =	vld [tilespmem:$0xC330]  }
0xc8: {  	v36 =	vld [tilespmem:$0xC3B8]  }
0xc9: {  	v37 =	vld [tilespmem:$0xC440]  }
0xca: {  	v38 =	vld [tilespmem:$0xC4C8]  }
0xcb: {  	v39 =	vld [tilespmem:$0xC550]  }
0xcc: {  	v40 =	vld [tilespmem:$0xC5D8]  }
0xcd: {  	v41 =	vld [tilespmem:$0xC660]  }
0xce: {  	v42 =	vld [tilespmem:$0xC6E8]  }
0xcf: {  	v43 =	vld [tilespmem:$0xC770]  }
0xd0: {  	v44 =	vld [tilespmem:$0xC7F8]  }
0xd1: {  	v45 =	vld [tilespmem:$0xC880]  }
0xd2: {  	v46 =	vld [tilespmem:$0xC908]  }
0xd3: {  	v60 =	vld [tilespmem:$0xC230];
	v1 =	vadd.f32 v2, v1  }
0xd4: {  	v61 =	vld [tilespmem:$0xC2B8]  }
0xd5: {  	v62 =	vld [tilespmem:$0xC340];
	v1 =	vadd.f32 v3, v1  }
0xd6: {  	v63 =	vld [tilespmem:$0xC3C8]  }
0xd7: {  	v47 =	vld [tilespmem:$0xC450];
	v1 =	vadd.f32 v4, v1  }
0xd8: {  	v12 =	vld [tilespmem:$0xC670]  }
0xd9: {  	v13 =	vld [tilespmem:$0xC780];
	v1 =	vadd.f32 v48, v1  }
0xda: {  	v14 =	vld [tilespmem:$0xC890];
	v59 =	vadd.f32 v18, v17  }
0xdb: {  	v15 =	vld [tilespmem:$0xC9A0];
	v1 =	vadd.f32 v49, v1  }
0xdc: {  	v9 =	vld [tilespmem:$0xC8A0];
	v4 =	vadd.f32 v19, v59  }
0xdd: {  	v8 =	vld [tilespmem:$0xC928];
	v5 =	vadd.f32 v61, v60;
	v3 =	vadd.f32 v50, v1  }
0xde: {  	v2 =	vld [tilespmem:$0xC990];
	v4 =	vadd.f32 v20, v4  }
0xdf: {  	v61 =	vld [tilespmem:$0xC250];
	v5 =	vadd.f32 v62, v5;
	v3 =	vadd.f32 v51, v3  }
0xe0: {  	v19 =	vld [tilespmem:$0xC5E8];
	v4 =	vadd.f32 v21, v4  }
0xe1: {  	v5 =	vadd.f32 v63, v5;
	v63 =	vld [tilespmem:$0xC2D8];
	v3 =	vadd.f32 v52, v3  }
0xe2: {  	v48 =	vld [tilespmem:$0xC4D8];
	v4 =	vadd.f32 v22, v4  }
0xe3: {  	v20 =	vld [tilespmem:$0xC6F8];
	v3 =	vadd.f32 v53, v3  }
0xe4: {  	v10 =	vadd.f32 v47, v5;
	v5 =	vld [tilespmem:$0xCA38];
	v4 =	vadd.f32 v23, v4  }
0xe5: {  	v47 =	vld [tilespmem:$0xC360];
	v3 =	vadd.f32 v54, v3  }
0xe6: {  	v49 =	vld [tilespmem:$0xC560];
	v4 =	vadd.f32 v24, v4  }
0xe7: {  	v21 =	vld [tilespmem:$0xC808];
	v3 =	vadd.f32 v55, v3  }
0xe8: {  	v17 =	vadd.f32 v63, v61;
	v61 =	vld [tilespmem:$0xC270];
	v4 =	vadd.f32 v25, v4  }
0xe9: {  	v63 =	vld [tilespmem:$0xC2F8];
	v53 =	vadd.f32 v34, v33;
	v3 =	vadd.f32 v56, v3  }
0xea: {  	v1 =	vld [tilespmem:$0xCA18];
	v10 =	vadd.f32 v48, v10;
	v4 =	vadd.f32 v26, v4  }
0xeb: {  	v22 =	vld [tilespmem:$0xC918];
	v11 =	vadd.f32 v35, v53;
	v3 =	vadd.f32 v57, v3  }
0xec: {  	v48 =	vld [tilespmem:$0xC3E8];
	v17 =	vadd.f32 v47, v17;
	v4 =	vadd.f32 v27, v4  }
0xed: {  	v47 =	vld [tilespmem:$0xC3F8];
	v11 =	vadd.f32 v36, v11;
	v3 =	vadd.f32 v58, v3  }
0xee: {  	v23 =	vld [tilespmem:$0xCA28];
	v10 =	vadd.f32 v49, v10;
	v4 =	vadd.f32 v28, v4  }
0xef: {  	v49 =	vld [tilespmem:$0xC470];
	v55 =	vadd.f32 v37, v11;
	v3 =	vadd.f32 v16, v3  }
0xf0: {  	v24 =	vld [tilespmem:$0xC2C8];
	v10 =	vadd.f32 v19, v10  }
0xf1: {  	v25 =	vld [tilespmem:$0xC350];
	v4 =	vadd.f32 v29, v4;
	v6 =	vadd.f32 v38, v55;
	v50 =	vmax.f32 v3, $1.000000000e-30  }
0xf2: {  	v34 =	vld [tilespmem:$0xC4E8];
	v10 =	vadd.f32 v12, v10;
	v51 =	vshra.s32 v50, $0x1;
	v26 =	vmul.f32 $5.000000000e-01, v50  }
0xf3: {  	v12 =	vld [tilespmem:$0xC608];
	v4 =	vadd.f32 v30, v4;
	v59 =	vadd.f32 v39, v6;
	v52 =	vsub.s32 $0x5F3759DF, v51  }
0xf4: {  	v10 =	vadd.f32 v20, v10;
	v16 =	vld [tilespmem:$0xC240];
	v54 =	vmul.f32 v52, v26  }
0xf5: {  	v35 =	vld [tilespmem:$0xC5F8];
	v4 =	vadd.f32 v31, v4;
	v37 =	vadd.f32 v40, v59  }
0xf6: {  	v20 =	vld [tilespmem:$0xC718];
	v10 =	vadd.f32 v13, v10;
	v33 =	vmul.f32 v52, v54  }
0xf7: {  	v27 =	vld [tilespmem:$0xC3D8];
	v4 =	vadd.f32 v32, v4;
	v37 =	vadd.f32 v41, v37  }
0xf8: {  	v36 =	vld [tilespmem:$0xC708];
	v10 =	vadd.f32 v21, v10;
	v33 =	vsub.f32 $1.500000000e+00, v33  }
0xf9: {  	v13 =	vld [tilespmem:$0xC828];
	v58 =	vmax.f32 v4, $1.000000000e-30;
	v37 =	vadd.f32 v42, v37;
	v16 =	vadd.f32 v24, v16  }
0xfa: {  	v28 =	vld [tilespmem:$0xC460];
	v60 =	vshra.s32 v58, $0x1;
	v56 =	vmul.f32 v52, v33;
	v33 =	vmul.f32 $5.000000000e-01, v58  }
0xfb: {  	v11 =	vld [tilespmem:$0xC818];
	v38 =	vsub.s32 $0x5F3759DF, v60;
	v37 =	vadd.f32 v43, v37;
	v16 =	vadd.f32 v25, v16  }
0xfc: {  	v21 =	vld [tilespmem:$0xC938];
	v10 =	vadd.f32 v14, v10;
	v57 =	vmul.f32 v56, v26;
	v62 =	vmul.f32 v38, v33  }
0xfd: {  	v29 =	vld [tilespmem:$0xC570];
	v37 =	vadd.f32 v44, v37;
	v16 =	vadd.f32 v27, v16  }
0xfe: {  	v30 =	vld [tilespmem:$0xC680];
	v10 =	vadd.f32 v22, v10;
	v32 =	vmul.f32 v57, v56;
	v40 =	vmul.f32 v38, v62  }
0xff: {  	v59 =	vld [tilespmem:$0xC260];
	v37 =	vadd.f32 v45, v37;
	v16 =	vadd.f32 v28, v16  }
0x100: {  	v60 =	vld [tilespmem:$0xC2E8];
	v32 =	vsub.f32 $1.500000000e+00, v32;
	v50 =	vsub.f32 $1.500000000e+00, v40  }
0x101: {  	v41 =	vld [tilespmem:$0xC370];
	v55 =	vadd.f32 v46, v37;
	v16 =	vadd.f32 v34, v16  }
0x102: {  	v10 =	vadd.f32 v15, v10;
	v45 =	vld [tilespmem:$0xC380];
	v7 =	vmul.f32 v32, v56;
	v32 =	vmul.f32 v38, v50  }
0x103: {  	v6 =	vld [tilespmem:$0xC9B0];
	v2 =	vadd.f32 v2, v55;
	v58 =	vadd.f32 v29, v16  }
0x104: {  	v39 =	vld [tilespmem:$0xC7B0];
	v62 =	vadd.f32 v48, v17;
	v52 =	vmul.f32 v7, v26;
	v54 =	vmul.f32 v32, v33  }
0x105: {  	v16 =	vadd.f32 v60, v59;
	v48 =	vld [tilespmem:$0xC408];
	v17 =	vadd.f32 v63, v61  }
0x106: {  	v1 =	vadd.f32 v1, v2;
	v50 =	vld [tilespmem:$0xC480];
	v53 =	vmul.f32 v52, v7;
	v40 =	vmul.f32 v54, v32  }
0x107: {  	v16 =	vadd.f32 v41, v16;
	v15 =	vadd.f32 v45, v17;
	v52 =	vld [tilespmem:$0xC490]  }
0x108: {  	v54 =	vld [tilespmem:$0xC508];
	v38 =	vsub.f32 $1.500000000e+00, v53;
	v56 =	vsub.f32 $1.500000000e+00, v40  }
0x109: {  	v51 =	vld [tilespmem:$0xC4F8];
	v44 =	vadd.f32 v49, v62;
	v43 =	vmax.f32 v1, $1.000000000e-30;
	v16 =	vadd.f32 v47, v16  }
0x10a: {  	v15 =	vadd.f32 v48, v15;
	v38 =	vmul.f32 v38, v7;
	v32 =	vmul.f32 v56, v32;
	v56 =	vld [tilespmem:$0xC518]  }
0x10b: {  	v46 =	vshra.s32 v43, $0x1;
	v16 =	vadd.f32 v50, v16;
	v7 =	vadd.f32 v35, v58;
	v58 =	vld [tilespmem:$0xC590]  }
0x10c: {  	v31 =	vld [tilespmem:$0xC790];
	v15 =	vadd.f32 v52, v15;
	v57 =	vmul.f32 v38, v26;
	v2 =	vmul.f32 v32, v33  }
0x10d: {  	v24 =	vld [tilespmem:$0xC580];
	v16 =	vadd.f32 v54, v16;
	v30 =	vadd.f32 v30, v7;
	v7 =	vmul.f32 $5.000000000e-01, v43  }
0x10e: {  	v59 =	vld [tilespmem:$0xC5A0];
	v14 =	vmul.f32 v57, v38;
	v40 =	vmul.f32 v2, v32;
	v2 =	vadd.f32 v23, v10  }
0x10f: {  	v60 =	vld [tilespmem:$0xC618];
	v30 =	vadd.f32 v36, v30;
	v23 =	vsub.s32 $0x5F3759DF, v46;
	v10 =	vadd.f32 v51, v44  }
0x110: {  	v25 =	vld [tilespmem:$0xC690];
	v49 =	vmul.f32 v23, v7;
	v15 =	vadd.f32 v56, v15;
	v16 =	vadd.f32 v58, v16  }
0x111: {  	v61 =	vld [tilespmem:$0xC628];
	v14 =	vsub.f32 $1.500000000e+00, v14;
	v30 =	vadd.f32 v31, v30;
	v51 =	vmax.f32 v2, $1.000000000e-30  }
0x112: {  	v27 =	vld [tilespmem:$0xC7A0];
	v24 =	vadd.f32 v24, v10;
	v18 =	vsub.f32 $1.500000000e+00, v40;
	v53 =	vshra.s32 v51, $0x1  }
0x113: {  	v63 =	vld [tilespmem:$0xC6A0];
	v10 =	vmul.f32 $5.000000000e-01, v51;
	v22 =	vmul.f32 v23, v49;
	v15 =	vadd.f32 v59, v15  }
0x114: {  	v28 =	vld [tilespmem:$0xC8B0];
	v16 =	vadd.f32 v60, v16;
	v55 =	vsub.s32 $0x5F3759DF, v53;
	v12 =	vadd.f32 v12, v24  }
0x115: {  	v14 =	vmul.f32 v14, v38;
	v18 =	vmul.f32 v18, v32;
	v11 =	vadd.f32 v11, v30;
	v32 =	vld [tilespmem:$0xC6B0]  }
0x116: {  	v37 =	vld [tilespmem:$0xC738];
	v57 =	vmul.f32 v55, v10;
	v22 =	vsub.f32 $1.500000000e+00, v22;
	v15 =	vadd.f32 v61, v15  }
0x117: {  	v12 =	vadd.f32 v25, v12;
	v30 =	vmul.f32 v18, v33;
	v33 =	vld [tilespmem:$0xC728];
	v9 =	vadd.f32 v9, v11  }
0x118: {  	v34 =	vld [tilespmem:$0xC9C0];
	v16 =	vadd.f32 v63, v16;
	v24 =	vmul.f32 v55, v57;
	v22 =	vmul.f32 v23, v22  }
0x119: {  	v41 =	vld [tilespmem:$0xC7C0];
	v12 =	vadd.f32 v20, v12;
	v36 =	vmul.f32 v30, v18;
	v8 =	vadd.f32 v8, v9  }
0x11a: {  	v45 =	vld [tilespmem:$0xC8C0];
	v3 =	vmul.f32 v14, v3;
	v62 =	vsub.f32 $1.500000000e+00, v24;
	v15 =	vadd.f32 v32, v15  }
0x11b: {  	v43 =	vld [tilespmem:$0xC838];
	v38 =	vmul.f32 v22, v7;
	v12 =	vadd.f32 v27, v12;
	v11 =	vsub.f32 $1.500000000e+00, v36  }
0x11c: {  	v44 =	vld [tilespmem:$0xC848];
	v6 =	vadd.f32 v6, v8;
	v23 =	vmul.f32 v55, v62;
	v16 =	vadd.f32 v33, v16  }
0x11d: {  	v47 =	vld [tilespmem:$0xC8D0];
	v42 =	vmul.f32 v38, v22;
	v15 =	vadd.f32 v37, v15;
	v12 =	vadd.f32 v13, v12  }
0x11e: {  	v48 =	vld [tilespmem:$0xC948];
	v11 =	vmul.f32 v11, v18;
	v5 =	vadd.f32 v5, v6;
	v46 =	vadd.f32 v39, v16  }
0x11f: {  	v50 =	vld [tilespmem:$0xC958];
	v40 =	vmul.f32 v23, v10;
	v15 =	vadd.f32 v41, v15;
	v12 =	vadd.f32 v28, v12  }
0x120: {  	v26 =	vld [tilespmem:$0xCA48];
	v13 =	vsub.f32 $1.500000000e+00, v42;
	v4 =	vmul.f32 v11, v4;
	v49 =	vadd.f32 v43, v46  }
0x121: {  	v52 =	vld [tilespmem:$0xC9D0];
	v60 =	vmax.f32 v5, $1.000000000e-30;
	v15 =	vadd.f32 v44, v15;
	v12 =	vadd.f32 v21, v12  }
0x122: {  	v54 =	vld [tilespmem:$0xC9E0];
	v9 =	vmul.f32 v40, v23;
	v13 =	vmul.f32 v13, v22;
	v53 =	vadd.f32 v45, v49  }
0x123: {  	v56 =	vld [tilespmem:$0xCA58];
	v62 =	vshra.s32 v60, $0x1;
	v15 =	vadd.f32 v47, v15;
	v55 =	vadd.f32 v34, v12  }
0x124: {  	v59 =	vld [tilespmem:$0xCA68];
	v63 =	vmul.f32 $5.000000000e-01, v60;
	v9 =	vsub.f32 $1.500000000e+00, v9;
	v6 =	vadd.f32 v48, v53  }
0x125: {  	v29 =	vsub.s32 $0x5F3759DF, v62;
	v14 =	vadd.f32 v50, v15;
	v11 =	vadd.f32 v26, v55  }
0x126: {  	v51 =	vmul.f32 v13, v7;
	v30 =	vmul.f32 v29, v63;
	v6 =	vadd.f32 v52, v6  }
0x127: {  	v9 =	vmul.f32 v9, v23;
	v8 =	vadd.f32 v54, v14;
	v27 =	vmax.f32 v11, $1.000000000e-30  }
0x128: {  	v28 =	vshra.s32 v27, $0x1;
	v20 =	vmul.f32 $5.000000000e-01, v27;
	v6 =	vadd.f32 v56, v6  }
0x129: {  	v57 =	vmul.f32 v51, v13;
	v8 =	vadd.f32 v59, v8;
	v14 =	vsub.s32 $0x5F3759DF, v28  }
0x12a: {  	v17 =	vmul.f32 v29, v30;
	v31 =	vmul.f32 v14, v20;
	v32 =	vmax.f32 v6, $1.000000000e-30  }
0x12b: {  	v34 =	vmax.f32 v8, $1.000000000e-30;
	v33 =	vshra.s32 v32, $0x1;
	v21 =	vmul.f32 $5.000000000e-01, v32  }
0x12c: {  	v35 =	vshra.s32 v34, $0x1;
	v23 =	vmul.f32 $5.000000000e-01, v34;
	v22 =	vsub.s32 $0x5F3759DF, v33  }
0x12d: {  	v58 =	vmul.f32 v9, v10;
	v24 =	vsub.s32 $0x5F3759DF, v35;
	v36 =	vmul.f32 v22, v21  }
0x12e: {  	v17 =	vsub.f32 $1.500000000e+00, v17;
	v18 =	vmul.f32 v14, v31;
	v37 =	vmul.f32 v24, v23  }
0x12f: {  	v16 =	vsub.f32 $1.500000000e+00, v57;
	v61 =	vmul.f32 v58, v9;
	v25 =	vmul.f32 v22, v36  }
0x130: {  	v12 =	vmul.f32 v29, v17;
	v18 =	vsub.f32 $1.500000000e+00, v18;
	v26 =	vmul.f32 v24, v37  }
0x131: {  	v13 =	vmul.f32 v16, v13;
	v15 =	vsub.f32 $1.500000000e+00, v61;
	v38 =	vsub.f32 $1.500000000e+00, v25  }
0x132: {  	v17 =	vmul.f32 v12, v63;
	v14 =	vmul.f32 v14, v18;
	v39 =	vsub.f32 $1.500000000e+00, v26  }
0x133: {  	v9 =	vmul.f32 v15, v9;
	v16 =	vmul.f32 v22, v38  }
0x134: {  	v18 =	vmul.f32 v14, v20;
	v15 =	vmul.f32 v24, v39  }
0x135: {  	v17 =	vmul.f32 v17, v12;
	v22 =	vmul.f32 v16, v21  }
0x136: {  	v18 =	vmul.f32 v18, v14;
	v24 =	vmul.f32 v15, v23  }
0x137: {  	v17 =	vsub.f32 $1.500000000e+00, v17;
	v22 =	vmul.f32 v22, v16  }
0x138: {  	v7 =	vmul.f32 v13, v7;
	v18 =	vsub.f32 $1.500000000e+00, v18;
	v24 =	vmul.f32 v24, v15  }
0x139: {  	v12 =	vmul.f32 v17, v12;
	v40 =	vsub.f32 $1.500000000e+00, v22  }
0x13a: {  	v7 =	vmul.f32 v7, v13;
	v14 =	vmul.f32 v18, v14;
	v41 =	vsub.f32 $1.500000000e+00, v24  }
0x13b: {  	v42 =	vmul.f32 v12, v63;
	v16 =	vmul.f32 v40, v16  }
0x13c: {  	v43 =	vmul.f32 v14, v20;
	v15 =	vmul.f32 v41, v15  }
0x13d: {  	v44 =	vmul.f32 v42, v12;
	v45 =	vmul.f32 v16, v21  }
0x13e: {  	v17 =	vmul.f32 v43, v14;
	v46 =	vmul.f32 v15, v23  }
0x13f: {  	v10 =	vmul.f32 v9, v10;
	v18 =	vsub.f32 $1.500000000e+00, v44;
	v22 =	vmul.f32 v45, v16  }
0x140: {  	v7 =	vsub.f32 $1.500000000e+00, v7;
	v17 =	vsub.f32 $1.500000000e+00, v17;
	v24 =	vmul.f32 v46, v15  }
0x141: {  	v10 =	vmul.f32 v10, v9;
	v12 =	vmul.f32 v18, v12;
	v47 =	vsub.f32 $1.500000000e+00, v22  }
0x142: {  	v7 =	vmul.f32 v7, v13;
	v48 =	vmul.f32 v17, v14;
	v49 =	vsub.f32 $1.500000000e+00, v24  }
0x143: {  	v50 =	vmul.f32 v12, v63;
	v13 =	vmul.f32 v47, v16  }
0x144: {  	v51 =	vmul.f32 v48, v20;
	v14 =	vmul.f32 v49, v15  }
0x145: {  	v3 =	vsub.f32 $1.000000000e+00, v3;
	v16 =	vmul.f32 v50, v12;
	v52 =	vmul.f32 v13, v21  }
0x146: {  	v10 =	vsub.f32 $1.500000000e+00, v10;
	v15 =	vmul.f32 v51, v48;
	v53 =	vmul.f32 v14, v23  }
0x147: {  	v4 =	vsub.f32 $1.000000000e+00, v4;
	v54 =	vsub.f32 $1.500000000e+00, v16;
	v55 =	vmul.f32 v52, v13  }
0x148: {  	v9 =	vmul.f32 v10, v9;
	v56 =	vsub.f32 $1.500000000e+00, v15;
	v57 =	vmul.f32 v53, v14  }
0x149: {  	v1 =	vmul.f32 v7, v1;
	v7 =	vmul.f32 v54, v12;
	v58 =	vsub.f32 $1.500000000e+00, v55  }
0x14a: {  	v2 =	vmul.f32 v9, v2;
	v9 =	vmul.f32 v56, v48;
	v59 =	vsub.f32 $1.500000000e+00, v57  }
0x14b: {  	[tilespmem:$0xCA80] =	vst v3;
	v1 =	vsub.f32 $1.000000000e+00, v1;
	v3 =	vmul.f32 v7, v5;
	v60 =	vmul.f32 v58, v13  }
0x14c: {  	[tilespmem:$0xCA90] =	vst v4;
	v2 =	vsub.f32 $1.000000000e+00, v2;
	v61 =	vmul.f32 v9, v11;
	v62 =	vmul.f32 v59, v14  }
0x14d: {  	[tilespmem:$0xCAA0] =	vst v1;
	v1 =	vsub.f32 $1.000000000e+00, v3;
	v3 =	vmul.f32 v60, v6  }
0x14e: {  	[tilespmem:$0xCAB0] =	vst v2;
	v2 =	vsub.f32 $1.000000000e+00, v61;
	v63 =	vmul.f32 v62, v8  }
0x14f: {  	[tilespmem:$0xCAC0] =	vst v1;
	v1 =	vsub.f32 $1.000000000e+00, v3  }
0x150: {  	[tilespmem:$0xCAD0] =	vst v2;
	v2 =	vsub.f32 $1.000000000e+00, v63  }
0x151: {  	[tilespmem:$0xCAE0] =	vst v1  }
0x152: {  	s31 =	simm.s32 $0xCA80;
	[tilespmem:$0xCAF0] =	vst v2  }
0x153: {  	[hbm4b:s14+s3] =	stream.linear.scatter [tilespmem:s31], [sflag:$0x3], $0x80, $0x38;
	[tilespmem:$0xCB00] =	vst v63  }
0x154: {  	_ =	swait.ge [sflag:s16], $0x80  }
0x155: {  	[sflag:s16] =	ssyncset.done $0x0  }
0x156: {  	[sflag:s16] =	ssyncadd.s32 $0xFFFFFF80  }
0x157: {  	_ =	swait.ge [sflag:s28], $0x4000  }
0x158: {  	[sflag:s28] =	ssyncset.done $0x0  }
0x159: {  	[sflag:s28] =	ssyncadd.s32 $0xFFFFC000  }
0x15a: {  	_ =	swait.ge [sflag:s28], $0x2000  }
0x15b: {  	[sflag:s28] =	ssyncset.done $0x0  }
0x15c: {  	s29 =	sadd.s32 $0x1, s29;
	[sflag:s28] =	ssyncadd.s32 $0xFFFFE000  }
0x15d: {  	p0 =	sne.s32 s29, s15;
	_ =	swait.ge [sflag:s28], $0x4000  }
.Ltmp1:
0x15e: {  	[sflag:s28] =	ssyncset.done $0x0;
	(pc) =	sbr.rel @p0 .LBB2_1-.Ltmp1, $4  }
0x15f: {  	[sflag:s28] =	ssyncadd.s32 $0xFFFFC000  }
0x160: {  	_ =	swait.ge [sflag:s28], $0x2000  }
0x161: {  	[sflag:s28] =	ssyncset.done $0x0  }
0x162: {  	[sflag:s28] =	ssyncadd.s32 $0xFFFFE000  }
0x163: {  	_ =	sfence.sel $0x180000  }
0x164: {  	[bflag:$0x0] =	sbarrier.arrive $0xFFFF  }
0x165: {  	_ =	strace $0x90000047  }
0x166: {  	s0 =	stileid.u32;
	[bflag:$0x2] =	sbarrier.arrive $0xFFFF  }
0x167: {  	p0 =	sne.s32 s0, $0x0;
	s0 =	rddreg [dreg:$0x7]  }
0x168: {  	s0 =	sadd.s32 @!p0 $0x100000, s0  }
0x169: {  	[sflag:s0] =	ssyncadd.tile.s32 @!p0 $0x1;
	_ =	shalt  }
.Lfunc_end2:
_tile_overlayer_lowered:
.L_overlay_start_2:
0x16a: {  	(tag) =	ssettag $0x2  }
0x16b: {  	s0 =	rddreg [dreg:$0x0];
	s2 =	stileid.u32  }
0x16c: {  	s1 =	rddreg [dreg:$0x1];
	p0 =	sne.s32 s2, $0x0  }
0x16d: {  	s3 =	rddreg [dreg:$0x2];
	[bflag:$0x3] =	sbarrier.arrive $0xFFFF;
	s2 =	simm.s32 @!p0 $0x1C03  }
0x16e: {  	[timem:s3], [sflag:s2] =	dma.local @!p0 [hbm:s0], s1  }
0x16f: {  	s0 =	simm.s32 @!p0 $0x3  }
0x170: {  	_ =	swait.ge @!p0 [sflag:s0], s1  }
0x171: {  	s1 =	ssub.s32 @!p0 $0x0, s1;
	[sflag:s0] =	ssyncset.done @!p0 $0x0  }
0x172: {  	[sflag:s0] =	ssyncadd.s32 @!p0 s1  }
0x173: {  	[bflag:$0x3] =	sbarrier.arrive $0xFFFF  }
0x174: {  	_ =	shalt  }

</sc_bundles>
